<compile_context>
chip_gen: v7x
topology: tpu7x:2x2x1
jax: 0.10.2.dev20260603
libtpu: 0.0.44.dev20260713+nightly
codegen_flags: <defaults>
</compile_context>

<pallas_src>
import functools

import jax
import jax.numpy as jnp
from jax import lax
from jax.experimental import pallas as pl
from jax.experimental.pallas import tpu as pltpu
from jax.experimental.pallas import tpu_sc as plsc

NN = 10000
DIN = 256
DHID = 256
HALF = 128
NP = 10240
TROW = NP // 16
EB = 128
NTILES = 1250
NTPAD = 1280
NBT = NTPAD // 16
P0 = 40
NCORE = 2
NSUB = 16

_mesh = plsc.VectorSubcoreMesh(core_axis_name="c", subcore_axis_name="s")


@functools.partial(
    pl.kernel,
    mesh=_mesh,
    out_type=jax.ShapeDtypeStruct((NCORE, NP), jnp.float32),
    scratch_types=[
        pltpu.VMEM((NBT, EB), jnp.int32),
        pltpu.VMEM((EB,), jnp.float32),
        pltpu.VMEM((TROW,), jnp.float32),
        pltpu.VMEM_SHARED((NP,), jnp.float32),
        pltpu.SemaphoreType.DMA,
    ],
)
def _deg_sc(e6_hbm, deg_out, didx_v, ones_v, zbuf_v, deg_sh, sem):
    c = lax.axis_index("c")
    s = lax.axis_index("s")
    for i in range(EB // 16):
        ones_v[pl.ds(i * 16, 16)] = jnp.ones((16,), jnp.float32)
    for i in range(TROW // 16):
        zbuf_v[pl.ds(i * 16, 16)] = jnp.zeros((16,), jnp.float32)
    pltpu.sync_copy(e6_hbm.at[1, pl.ds(s * NBT, NBT)], didx_v)
    pltpu.sync_copy(zbuf_v, deg_sh.at[pl.ds(s * TROW, TROW)])
    plsc.subcore_barrier()

    nmine = NBT // 2

    def fire(b, carry):
        pltpu.async_copy(ones_v, deg_sh.at[didx_v.at[2 * b + c]], sem,
                         add=True)
        return carry

    lax.fori_loop(0, nmine, fire, 0)

    def drain(b, carry):
        pltpu.make_async_copy(ones_v, deg_sh.at[didx_v.at[0]], sem).wait()
        return carry

    lax.fori_loop(0, nmine, drain, 0)
    plsc.subcore_barrier()
    pltpu.sync_copy(deg_sh.at[pl.ds(s * TROW, TROW)],
                    deg_out.at[c, pl.ds(s * TROW, TROW)])


@functools.partial(
    pl.kernel,
    mesh=_mesh,
    out_type=jax.ShapeDtypeStruct((NCORE, NP, HALF), jnp.float32),
    scratch_types=[
        pltpu.VMEM((P0, EB), jnp.int32),
        pltpu.VMEM((P0, EB), jnp.int32),
        pltpu.VMEM((2, EB, HALF), jnp.float32),
        pltpu.VMEM_SHARED((NP, HALF), jnp.float32),
        pltpu.SemaphoreType.DMA((2,)),
    ],
)
def _msg_sc(tab3_hbm, e6_hbm, acc_out, sidx_v, didx_v, rows_v, acc_sh, gsem):
    c = lax.axis_index("c")
    s = lax.axis_index("s")

    def zfill(r, carry):
        for j in range(HALF // 16):
            rows_v[0, r, pl.ds(j * 16, 16)] = jnp.zeros((16,), jnp.float32)
        return carry

    lax.fori_loop(0, EB, zfill, 0)
    for k in range(TROW // EB):
        pltpu.sync_copy(rows_v.at[0],
                        acc_sh.at[pl.ds(s * TROW + k * EB, EB)])
    plsc.subcore_barrier()

    def body(b, nbp):
        slot = lax.rem(b, 2)
        nslot = lax.rem(b + 1, 2)

        @pl.when(b + 1 < nbp)
        def _():
            pltpu.async_copy(tab3_hbm.at[c].at[sidx_v.at[b + 1]],
                             rows_v.at[nslot], gsem.at[nslot])

        pltpu.make_async_copy(tab3_hbm.at[c].at[sidx_v.at[0]],
                              rows_v.at[slot], gsem.at[slot]).wait()
        pltpu.sync_copy(rows_v.at[slot], acc_sh.at[didx_v.at[b]], add=True)
        return nbp

    for pb in (0, P0):
        pltpu.sync_copy(e6_hbm.at[0, pl.ds(s * NBT + pb, P0)], sidx_v)
        pltpu.sync_copy(e6_hbm.at[1, pl.ds(s * NBT + pb, P0)], didx_v)
        pltpu.async_copy(tab3_hbm.at[c].at[sidx_v.at[0]], rows_v.at[0],
                         gsem.at[0])
        lax.fori_loop(0, P0, body, P0)
    plsc.subcore_barrier()
    pltpu.sync_copy(acc_sh.at[pl.ds(s * TROW, TROW)],
                    acc_out.at[c, pl.ds(s * TROW, TROW)])


_BN = 5120
_NBLK = NP // _BN


def _xws_body(x_ref, w_ref, deg_ref, tab_ref, dis_ref):
    xw = jnp.dot(x_ref[...].astype(jnp.bfloat16),
                 w_ref[...].astype(jnp.bfloat16),
                 preferred_element_type=jnp.float32)
    dt = jnp.transpose(deg_ref[...], (1, 0))
    dis = lax.rsqrt(dt[:, 0:1] + dt[:, 1:2] + 1.0)
    dis_ref[...] = dis
    tab_ref[0] = xw[:, :HALF] * dis
    tab_ref[1] = xw[:, HALF:] * dis


def _xws_tc(x, w, deg2):
    return pl.pallas_call(
        _xws_body,
        grid=(_NBLK,),
        in_specs=[pl.BlockSpec((_BN, DIN), lambda i: (i, 0)),
                  pl.BlockSpec((DIN, DHID), lambda i: (0, 0)),
                  pl.BlockSpec((NCORE, _BN), lambda i: (0, i))],
        out_specs=[pl.BlockSpec((NCORE, _BN, HALF), lambda i: (0, i, 0)),
                   pl.BlockSpec((_BN, 1), lambda i: (i, 0))],
        out_shape=[jax.ShapeDtypeStruct((NCORE, NP, HALF), jnp.float32),
                   jax.ShapeDtypeStruct((NP, 1), jnp.float32)],
    )(x, w, deg2)


def _epi_body(acc_ref, tab_ref, dis_ref, hn_ref, bg_ref, wf_ref, bf_ref,
              wc_ref, bc_ref, o_ref):
    dis = dis_ref[...]
    a = jnp.concatenate(
        [(acc_ref[0] + tab_ref[0]) * dis, (acc_ref[1] + tab_ref[1]) * dis],
        axis=1)
    h = jnp.maximum(a + bg_ref[...], 0.0)
    alpha = 1.0 - jnp.transpose(hn_ref[...], (1, 0))
    ha = alpha * h
    h2 = jnp.maximum(
        jnp.dot(ha, wf_ref[...], preferred_element_type=jnp.float32)
        + bf_ref[...], 0.0)
    out = (jnp.dot(h2, wc_ref[...], preferred_element_type=jnp.float32)
           + bc_ref[...])
    o_ref[...] = jnp.transpose(out, (1, 0))


def _epi_tc(acc, tab, dis, hn, bg, wf, bf, wc, bc):
    nc = wc.shape[1]
    return pl.pallas_call(
        _epi_body,
        grid=(_NBLK,),
        in_specs=[pl.BlockSpec((NCORE, _BN, HALF), lambda i: (0, i, 0)),
                  pl.BlockSpec((NCORE, _BN, HALF), lambda i: (0, i, 0)),
                  pl.BlockSpec((_BN, 1), lambda i: (i, 0)),
                  pl.BlockSpec((1, _BN), lambda i: (0, i)),
                  pl.BlockSpec((1, DHID), lambda i: (0, 0)),
                  pl.BlockSpec((DHID, 64), lambda i: (0, 0)),
                  pl.BlockSpec((1, 64), lambda i: (0, 0)),
                  pl.BlockSpec((64, nc), lambda i: (0, 0)),
                  pl.BlockSpec((1, nc), lambda i: (0, 0))],
        out_specs=pl.BlockSpec((nc, _BN), lambda i: (0, i)),
        out_shape=jax.ShapeDtypeStruct((nc, NN), jnp.float32),
    )(acc, tab, dis, hn, bg, wf, bf, wc, bc)


def kernel(x, edge_index, h_node, W_gcn, b_gcn, W_fus, b_fus, W_cls, b_cls):
    npad = NTPAD - NTILES
    ar = jnp.arange(npad * EB, dtype=jnp.int32).reshape(npad, EB)
    pad = jnp.stack([(ar * 89) % NN, NN + (ar % 16)])
    e6 = jnp.concatenate([edge_index.reshape(2, NTILES, EB), pad], axis=1)
    deg2 = _deg_sc(e6)
    tab, dis = _xws_tc(x, W_gcn, deg2)
    acc = _msg_sc(tab, e6)
    out_t = _epi_tc(acc, tab, dis, h_node.reshape(1, NN),
                    b_gcn.reshape(1, DHID), W_fus, b_fus.reshape(1, 64),
                    W_cls, b_cls.reshape(1, W_cls.shape[1]))
    return out_t.T

# --- scband reference (transcript-rebuilt; emitter-appended) ---
"""Pipeline reference for scband-hmcen-no-multi-gran-1855425872277 (READ-ONLY COPY).

The authoritative reference and input builder live on the scoring server;
editing this copy changes nothing except your own understanding.
"""

import jax, jax.numpy as jnp
import numpy as np

N = 10000
E = 160000
D_IN = 256
D_HID = 256
D_FUS = 64
N_CLS = 2


def setup_inputs(seed: int = 0) -> dict:
    key = jax.random.key(seed)
    ks = jax.random.split(key, 8)
    x = jax.random.normal(ks[0], (N, D_IN), dtype=jnp.float32)
    edge_index = jax.random.randint(ks[1], (2, E), 0, N, dtype=jnp.int32)
    h_node = jax.random.uniform(ks[2], (N,), dtype=jnp.float32)
    W_gcn = jax.random.normal(ks[3], (D_IN, D_HID), dtype=jnp.float32) * (1.0 / np.sqrt(D_IN))
    b_gcn = jnp.zeros((D_HID,), dtype=jnp.float32)
    W_fus = jax.random.normal(ks[4], (D_HID, D_FUS), dtype=jnp.float32) * (1.0 / np.sqrt(D_HID))
    b_fus = jnp.zeros((D_FUS,), dtype=jnp.float32)
    W_cls = jax.random.normal(ks[5], (D_FUS, N_CLS), dtype=jnp.float32) * (1.0 / np.sqrt(D_FUS))
    b_cls = jnp.zeros((N_CLS,), dtype=jnp.float32)
    return {"x": x, "edge_index": edge_index, "h_node": h_node,
            "W_gcn": W_gcn, "b_gcn": b_gcn, "W_fus": W_fus, "b_fus": b_fus,
            "W_cls": W_cls, "b_cls": b_cls}


def _gcn_conv(x, edge_index, W, b):
    n = x.shape[0]
    loop = jnp.arange(n, dtype=edge_index.dtype)
    src = jnp.concatenate([edge_index[0], loop])
    dst = jnp.concatenate([edge_index[1], loop])
    xw = x @ W
    deg = jnp.zeros((n,), dtype=x.dtype).at[dst].add(1.0)
    deg_inv_sqrt = jnp.where(deg > 0, jax.lax.rsqrt(jnp.maximum(deg, 1e-12)), 0.0)
    norm = deg_inv_sqrt[src] * deg_inv_sqrt[dst]
    msgs = xw[src] * norm[:, None]
    agg = jnp.zeros((n, xw.shape[1]), dtype=x.dtype).at[dst].add(msgs)
    return agg + b


def reference(x, edge_index, h_node, W_gcn, b_gcn, W_fus, b_fus, W_cls, b_cls):
    h = jax.nn.relu(_gcn_conv(x, edge_index, W_gcn, b_gcn))
    alpha = (1.0 - h_node)[:, None]
    h_adaptive = alpha * h
    h2 = jax.nn.relu(h_adaptive @ W_fus + b_fus)
    logits = h2 @ W_cls + b_cls
    return logits

if __name__ == "__main__":
    import jax
    _d = setup_inputs()
    print(jax.jit(kernel)(*tuple(_d.values())))

</pallas_src>

<mosaic_0001>
#map = affine_map<(d0, d1) -> (0, 0, 0)>
#map1 = affine_map<(d0, d1) -> (0, 0)>
module attributes {stable_mosaic.version = 14 : i64} {
  func.func @_deg_sc(%arg0: i32, %arg1: i32, %arg2: memref<2x1280x128xi32, #tpu.memory_space<hbm>>, %arg3: memref<2x10240xf32, #tpu.memory_space<hbm>>, %arg4: memref<80x128xi32, #tpu.memory_space<vmem>>, %arg5: memref<128xf32, #tpu.memory_space<vmem>>, %arg6: memref<640xf32, #tpu.memory_space<vmem>>, %arg7: memref<10240xf32, #tpu.memory_space<vmem_shared>>, %arg8: memref<!tpu.dma_semaphore, #tpu.memory_space<semaphore_mem>>) attributes {dimension_semantics = [#tpu.dimension_semantics<core_parallel>, #tpu.dimension_semantics<subcore_parallel>], iteration_bounds = array<i64: 2, 16>, scalar_prefetch = 0 : i64, scratch_operands = 5 : i64, tpu.core_type = #tpu.core_type<sc_vector_subcore>, window_params = [{transform_indices = #map}, {transform_indices = #map1}]} {
    %broadcast_in_dim3A = arith.constant 1.000000e+00 : f32
    %broadcast_in_dim3A_0 = vector.broadcast %broadcast_in_dim3A : f32 to vector<16xf32>
    %swap3A = arith.constant 0 : index
    %swap3A_1 = tpu.vector_load %arg5[%swap3A] {strides = array<i32>} : memref<128xf32, #tpu.memory_space<vmem>>, vector<16xf32>,
    %swap3A_2 = vector.shape_cast %swap3A_1 : vector<16xf32> to vector<16xf32>
    %swap3A_3 = vector.shape_cast %broadcast_in_dim3A_0 : vector<16xf32> to vector<16xf32>
    tpu.vector_store %arg5[%swap3A], %swap3A_3 {strides = array<i32>} : memref<128xf32, #tpu.memory_space<vmem>>, vector<16xf32>,
    %broadcast_in_dim3A_4 = arith.constant 1.000000e+00 : f32
    %broadcast_in_dim3A_5 = vector.broadcast %broadcast_in_dim3A_4 : f32 to vector<16xf32>
    %swap3A_6 = arith.constant 16 : index
    %swap3A_7 = tpu.vector_load %arg5[%swap3A_6] {strides = array<i32>} : memref<128xf32, #tpu.memory_space<vmem>>, vector<16xf32>,
    %swap3A_8 = vector.shape_cast %swap3A_7 : vector<16xf32> to vector<16xf32>
    %swap3A_9 = vector.shape_cast %broadcast_in_dim3A_5 : vector<16xf32> to vector<16xf32>
    tpu.vector_store %arg5[%swap3A_6], %swap3A_9 {strides = array<i32>} : memref<128xf32, #tpu.memory_space<vmem>>, vector<16xf32>,
    %broadcast_in_dim3A_10 = arith.constant 1.000000e+00 : f32
    %broadcast_in_dim3A_11 = vector.broadcast %broadcast_in_dim3A_10 : f32 to vector<16xf32>
    %swap3A_12 = arith.constant 32 : index
    %swap3A_13 = tpu.vector_load %arg5[%swap3A_12] {strides = array<i32>} : memref<128xf32, #tpu.memory_space<vmem>>, vector<16xf32>,
    %swap3A_14 = vector.shape_cast %swap3A_13 : vector<16xf32> to vector<16xf32>
    %swap3A_15 = vector.shape_cast %broadcast_in_dim3A_11 : vector<16xf32> to vector<16xf32>
    tpu.vector_store %arg5[%swap3A_12], %swap3A_15 {strides = array<i32>} : memref<128xf32, #tpu.memory_space<vmem>>, vector<16xf32>,
    %broadcast_in_dim3A_16 = arith.constant 1.000000e+00 : f32
    %broadcast_in_dim3A_17 = vector.broadcast %broadcast_in_dim3A_16 : f32 to vector<16xf32>
    %swap3A_18 = arith.constant 48 : index
    %swap3A_19 = tpu.vector_load %arg5[%swap3A_18] {strides = array<i32>} : memref<128xf32, #tpu.memory_space<vmem>>, vector<16xf32>,
    %swap3A_20 = vector.shape_cast %swap3A_19 : vector<16xf32> to vector<16xf32>
    %swap3A_21 = vector.shape_cast %broadcast_in_dim3A_17 : vector<16xf32> to vector<16xf32>
    tpu.vector_store %arg5[%swap3A_18], %swap3A_21 {strides = array<i32>} : memref<128xf32, #tpu.memory_space<vmem>>, vector<16xf32>,
    %broadcast_in_dim3A_22 = arith.constant 1.000000e+00 : f32
    %broadcast_in_dim3A_23 = vector.broadcast %broadcast_in_dim3A_22 : f32 to vector<16xf32>
    %swap3A_24 = arith.constant 64 : index
    %swap3A_25 = tpu.vector_load %arg5[%swap3A_24] {strides = array<i32>} : memref<128xf32, #tpu.memory_space<vmem>>, vector<16xf32>,
    %swap3A_26 = vector.shape_cast %swap3A_25 : vector<16xf32> to vector<16xf32>
    %swap3A_27 = vector.shape_cast %broadcast_in_dim3A_23 : vector<16xf32> to vector<16xf32>
    tpu.vector_store %arg5[%swap3A_24], %swap3A_27 {strides = array<i32>} : memref<128xf32, #tpu.memory_space<vmem>>, vector<16xf32>,
    %broadcast_in_dim3A_28 = arith.constant 1.000000e+00 : f32
    %broadcast_in_dim3A_29 = vector.broadcast %broadcast_in_dim3A_28 : f32 to vector<16xf32>
    %swap3A_30 = arith.constant 80 : index
    %swap3A_31 = tpu.vector_load %arg5[%swap3A_30] {strides = array<i32>} : memref<128xf32, #tpu.memory_space<vmem>>, vector<16xf32>,
    %swap3A_32 = vector.shape_cast %swap3A_31 : vector<16xf32> to vector<16xf32>
    %swap3A_33 = vector.shape_cast %broadcast_in_dim3A_29 : vector<16xf32> to vector<16xf32>
    tpu.vector_store %arg5[%swap3A_30], %swap3A_33 {strides = array<i32>} : memref<128xf32, #tpu.memory_space<vmem>>, vector<16xf32>,
    %broadcast_in_dim3A_34 = arith.constant 1.000000e+00 : f32
    %broadcast_in_dim3A_35 = vector.broadcast %broadcast_in_dim3A_34 : f32 to vector<16xf32>
    %swap3A_36 = arith.constant 96 : index
    %swap3A_37 = tpu.vector_load %arg5[%swap3A_36] {strides = array<i32>} : memref<128xf32, #tpu.memory_space<vmem>>, vector<16xf32>,
    %swap3A_38 = vector.shape_cast %swap3A_37 : vector<16xf32> to vector<16xf32>
    %swap3A_39 = vector.shape_cast %broadcast_in_dim3A_35 : vector<16xf32> to vector<16xf32>
    tpu.vector_store %arg5[%swap3A_36], %swap3A_39 {strides = array<i32>} : memref<128xf32, #tpu.memory_space<vmem>>, vector<16xf32>,
    %broadcast_in_dim3A_40 = arith.constant 1.000000e+00 : f32
    %broadcast_in_dim3A_41 = vector.broadcast %broadcast_in_dim3A_40 : f32 to vector<16xf32>
    %swap3A_42 = arith.constant 112 : index
    %swap3A_43 = tpu.vector_load %arg5[%swap3A_42] {strides = array<i32>} : memref<128xf32, #tpu.memory_space<vmem>>, vector<16xf32>,
    %swap3A_44 = vector.shape_cast %swap3A_43 : vector<16xf32> to vector<16xf32>
    %swap3A_45 = vector.shape_cast %broadcast_in_dim3A_41 : vector<16xf32> to vector<16xf32>
    tpu.vector_store %arg5[%swap3A_42], %swap3A_45 {strides = array<i32>} : memref<128xf32, #tpu.memory_space<vmem>>, vector<16xf32>,
    %broadcast_in_dim3A_46 = arith.constant 0.000000e+00 : f32
    %broadcast_in_dim3A_47 = vector.broadcast %broadcast_in_dim3A_46 : f32 to vector<16xf32>
    %swap3A_48 = arith.constant 0 : index
    %swap3A_49 = tpu.vector_load %arg6[%swap3A_48] {strides = array<i32>} : memref<640xf32, #tpu.memory_space<vmem>>, vector<16xf32>,
    %swap3A_50 = vector.shape_cast %swap3A_49 : vector<16xf32> to vector<16xf32>
    %swap3A_51 = vector.shape_cast %broadcast_in_dim3A_47 : vector<16xf32> to vector<16xf32>
    tpu.vector_store %arg6[%swap3A_48], %swap3A_51 {strides = array<i32>} : memref<640xf32, #tpu.memory_space<vmem>>, vector<16xf32>,
    %broadcast_in_dim3A_52 = arith.constant 0.000000e+00 : f32
    %broadcast_in_dim3A_53 = vector.broadcast %broadcast_in_dim3A_52 : f32 to vector<16xf32>
    %swap3A_54 = arith.constant 16 : index
    %swap3A_55 = tpu.vector_load %arg6[%swap3A_54] {strides = array<i32>} : memref<640xf32, #tpu.memory_space<vmem>>, vector<16xf32>,
    %swap3A_56 = vector.shape_cast %swap3A_55 : vector<16xf32> to vector<16xf32>
    %swap3A_57 = vector.shape_cast %broadcast_in_dim3A_53 : vector<16xf32> to vector<16xf32>
    tpu.vector_store %arg6[%swap3A_54], %swap3A_57 {strides = array<i32>} : memref<640xf32, #tpu.memory_space<vmem>>, vector<16xf32>,
    %broadcast_in_dim3A_58 = arith.constant 0.000000e+00 : f32
    %broadcast_in_dim3A_59 = vector.broadcast %broadcast_in_dim3A_58 : f32 to vector<16xf32>
    %swap3A_60 = arith.constant 32 : index
    %swap3A_61 = tpu.vector_load %arg6[%swap3A_60] {strides = array<i32>} : memref<640xf32, #tpu.memory_space<vmem>>, vector<16xf32>,
    %swap3A_62 = vector.shape_cast %swap3A_61 : vector<16xf32> to vector<16xf32>
    %swap3A_63 = vector.shape_cast %broadcast_in_dim3A_59 : vector<16xf32> to vector<16xf32>
    tpu.vector_store %arg6[%swap3A_60], %swap3A_63 {strides = array<i32>} : memref<640xf32, #tpu.memory_space<vmem>>, vector<16xf32>,
    %broadcast_in_dim3A_64 = arith.constant 0.000000e+00 : f32
    %broadcast_in_dim3A_65 = vector.broadcast %broadcast_in_dim3A_64 : f32 to vector<16xf32>
    %swap3A_66 = arith.constant 48 : index
    %swap3A_67 = tpu.vector_load %arg6[%swap3A_66] {strides = array<i32>} : memref<640xf32, #tpu.memory_space<vmem>>, vector<16xf32>,
    %swap3A_68 = vector.shape_cast %swap3A_67 : vector<16xf32> to vector<16xf32>
    %swap3A_69 = vector.shape_cast %broadcast_in_dim3A_65 : vector<16xf32> to vector<16xf32>
    tpu.vector_store %arg6[%swap3A_66], %swap3A_69 {strides = array<i32>} : memref<640xf32, #tpu.memory_space<vmem>>, vector<16xf32>,
    %broadcast_in_dim3A_70 = arith.constant 0.000000e+00 : f32
    %broadcast_in_dim3A_71 = vector.broadcast %broadcast_in_dim3A_70 : f32 to vector<16xf32>
    %swap3A_72 = arith.constant 64 : index
    %swap3A_73 = tpu.vector_load %arg6[%swap3A_72] {strides = array<i32>} : memref<640xf32, #tpu.memory_space<vmem>>, vector<16xf32>,
    %swap3A_74 = vector.shape_cast %swap3A_73 : vector<16xf32> to vector<16xf32>
    %swap3A_75 = vector.shape_cast %broadcast_in_dim3A_71 : vector<16xf32> to vector<16xf32>
    tpu.vector_store %arg6[%swap3A_72], %swap3A_75 {strides = array<i32>} : memref<640xf32, #tpu.memory_space<vmem>>, vector<16xf32>,
    %broadcast_in_dim3A_76 = arith.constant 0.000000e+00 : f32
    %broadcast_in_dim3A_77 = vector.broadcast %broadcast_in_dim3A_76 : f32 to vector<16xf32>
    %swap3A_78 = arith.constant 80 : index
    %swap3A_79 = tpu.vector_load %arg6[%swap3A_78] {strides = array<i32>} : memref<640xf32, #tpu.memory_space<vmem>>, vector<16xf32>,
    %swap3A_80 = vector.shape_cast %swap3A_79 : vector<16xf32> to vector<16xf32>
    %swap3A_81 = vector.shape_cast %broadcast_in_dim3A_77 : vector<16xf32> to vector<16xf32>
    tpu.vector_store %arg6[%swap3A_78], %swap3A_81 {strides = array<i32>} : memref<640xf32, #tpu.memory_space<vmem>>, vector<16xf32>,
    %broadcast_in_dim3A_82 = arith.constant 0.000000e+00 : f32
    %broadcast_in_dim3A_83 = vector.broadcast %broadcast_in_dim3A_82 : f32 to vector<16xf32>
    %swap3A_84 = arith.constant 96 : index
    %swap3A_85 = tpu.vector_load %arg6[%swap3A_84] {strides = array<i32>} : memref<640xf32, #tpu.memory_space<vmem>>, vector<16xf32>,
    %swap3A_86 = vector.shape_cast %swap3A_85 : vector<16xf32> to vector<16xf32>
    %swap3A_87 = vector.shape_cast %broadcast_in_dim3A_83 : vector<16xf32> to vector<16xf32>
    tpu.vector_store %arg6[%swap3A_84], %swap3A_87 {strides = array<i32>} : memref<640xf32, #tpu.memory_space<vmem>>, vector<16xf32>,
    %broadcast_in_dim3A_88 = arith.constant 0.000000e+00 : f32
    %broadcast_in_dim3A_89 = vector.broadcast %broadcast_in_dim3A_88 : f32 to vector<16xf32>
    %swap3A_90 = arith.constant 112 : index
    %swap3A_91 = tpu.vector_load %arg6[%swap3A_90] {strides = array<i32>} : memref<640xf32, #tpu.memory_space<vmem>>, vector<16xf32>,
    %swap3A_92 = vector.shape_cast %swap3A_91 : vector<16xf32> to vector<16xf32>
    %swap3A_93 = vector.shape_cast %broadcast_in_dim3A_89 : vector<16xf32> to vector<16xf32>
    tpu.vector_store %arg6[%swap3A_90], %swap3A_93 {strides = array<i32>} : memref<640xf32, #tpu.memory_space<vmem>>, vector<16xf32>,
    %broadcast_in_dim3A_94 = arith.constant 0.000000e+00 : f32
    %broadcast_in_dim3A_95 = vector.broadcast %broadcast_in_dim3A_94 : f32 to vector<16xf32>
    %swap3A_96 = arith.constant 128 : index
    %swap3A_97 = tpu.vector_load %arg6[%swap3A_96] {strides = array<i32>} : memref<640xf32, #tpu.memory_space<vmem>>, vector<16xf32>,
    %swap3A_98 = vector.shape_cast %swap3A_97 : vector<16xf32> to vector<16xf32>
    %swap3A_99 = vector.shape_cast %broadcast_in_dim3A_95 : vector<16xf32> to vector<16xf32>
    tpu.vector_store %arg6[%swap3A_96], %swap3A_99 {strides = array<i32>} : memref<640xf32, #tpu.memory_space<vmem>>, vector<16xf32>,
    %broadcast_in_dim3A_100 = arith.constant 0.000000e+00 : f32
    %broadcast_in_dim3A_101 = vector.broadcast %broadcast_in_dim3A_100 : f32 to vector<16xf32>
    %swap3A_102 = arith.constant 144 : index
    %swap3A_103 = tpu.vector_load %arg6[%swap3A_102] {strides = array<i32>} : memref<640xf32, #tpu.memory_space<vmem>>, vector<16xf32>,
    %swap3A_104 = vector.shape_cast %swap3A_103 : vector<16xf32> to vector<16xf32>
    %swap3A_105 = vector.shape_cast %broadcast_in_dim3A_101 : vector<16xf32> to vector<16xf32>
    tpu.vector_store %arg6[%swap3A_102], %swap3A_105 {strides = array<i32>} : memref<640xf32, #tpu.memory_space<vmem>>, vector<16xf32>,
    %broadcast_in_dim3A_106 = arith.constant 0.000000e+00 : f32
    %broadcast_in_dim3A_107 = vector.broadcast %broadcast_in_dim3A_106 : f32 to vector<16xf32>
    %swap3A_108 = arith.constant 160 : index
    %swap3A_109 = tpu.vector_load %arg6[%swap3A_108] {strides = array<i32>} : memref<640xf32, #tpu.memory_space<vmem>>, vector<16xf32>,
    %swap3A_110 = vector.shape_cast %swap3A_109 : vector<16xf32> to vector<16xf32>
    %swap3A_111 = vector.shape_cast %broadcast_in_dim3A_107 : vector<16xf32> to vector<16xf32>
    tpu.vector_store %arg6[%swap3A_108], %swap3A_111 {strides = array<i32>} : memref<640xf32, #tpu.memory_space<vmem>>, vector<16xf32>,
    %broadcast_in_dim3A_112 = arith.constant 0.000000e+00 : f32
    %broadcast_in_dim3A_113 = vector.broadcast %broadcast_in_dim3A_112 : f32 to vector<16xf32>
    %swap3A_114 = arith.constant 176 : index
    %swap3A_115 = tpu.vector_load %arg6[%swap3A_114] {strides = array<i32>} : memref<640xf32, #tpu.memory_space<vmem>>, vector<16xf32>,
    %swap3A_116 = vector.shape_cast %swap3A_115 : vector<16xf32> to vector<16xf32>
    %swap3A_117 = vector.shape_cast %broadcast_in_dim3A_113 : vector<16xf32> to vector<16xf32>
    tpu.vector_store %arg6[%swap3A_114], %swap3A_117 {strides = array<i32>} : memref<640xf32, #tpu.memory_space<vmem>>, vector<16xf32>,
    %broadcast_in_dim3A_118 = arith.constant 0.000000e+00 : f32
    %broadcast_in_dim3A_119 = vector.broadcast %broadcast_in_dim3A_118 : f32 to vector<16xf32>
    %swap3A_120 = arith.constant 192 : index
    %swap3A_121 = tpu.vector_load %arg6[%swap3A_120] {strides = array<i32>} : memref<640xf32, #tpu.memory_space<vmem>>, vector<16xf32>,
    %swap3A_122 = vector.shape_cast %swap3A_121 : vector<16xf32> to vector<16xf32>
    %swap3A_123 = vector.shape_cast %broadcast_in_dim3A_119 : vector<16xf32> to vector<16xf32>
    tpu.vector_store %arg6[%swap3A_120], %swap3A_123 {strides = array<i32>} : memref<640xf32, #tpu.memory_space<vmem>>, vector<16xf32>,
    %broadcast_in_dim3A_124 = arith.constant 0.000000e+00 : f32
    %broadcast_in_dim3A_125 = vector.broadcast %broadcast_in_dim3A_124 : f32 to vector<16xf32>
    %swap3A_126 = arith.constant 208 : index
    %swap3A_127 = tpu.vector_load %arg6[%swap3A_126] {strides = array<i32>} : memref<640xf32, #tpu.memory_space<vmem>>, vector<16xf32>,
    %swap3A_128 = vector.shape_cast %swap3A_127 : vector<16xf32> to vector<16xf32>
    %swap3A_129 = vector.shape_cast %broadcast_in_dim3A_125 : vector<16xf32> to vector<16xf32>
    tpu.vector_store %arg6[%swap3A_126], %swap3A_129 {strides = array<i32>} : memref<640xf32, #tpu.memory_space<vmem>>, vector<16xf32>,
    %broadcast_in_dim3A_130 = arith.constant 0.000000e+00 : f32
    %broadcast_in_dim3A_131 = vector.broadcast %broadcast_in_dim3A_130 : f32 to vector<16xf32>
    %swap3A_132 = arith.constant 224 : index
    %swap3A_133 = tpu.vector_load %arg6[%swap3A_132] {strides = array<i32>} : memref<640xf32, #tpu.memory_space<vmem>>, vector<16xf32>,
    %swap3A_134 = vector.shape_cast %swap3A_133 : vector<16xf32> to vector<16xf32>
    %swap3A_135 = vector.shape_cast %broadcast_in_dim3A_131 : vector<16xf32> to vector<16xf32>
    tpu.vector_store %arg6[%swap3A_132], %swap3A_135 {strides = array<i32>} : memref<640xf32, #tpu.memory_space<vmem>>, vector<16xf32>,
    %broadcast_in_dim3A_136 = arith.constant 0.000000e+00 : f32
    %broadcast_in_dim3A_137 = vector.broadcast %broadcast_in_dim3A_136 : f32 to vector<16xf32>
    %swap3A_138 = arith.constant 240 : index
    %swap3A_139 = tpu.vector_load %arg6[%swap3A_138] {strides = array<i32>} : memref<640xf32, #tpu.memory_space<vmem>>, vector<16xf32>,
    %swap3A_140 = vector.shape_cast %swap3A_139 : vector<16xf32> to vector<16xf32>
    %swap3A_141 = vector.shape_cast %broadcast_in_dim3A_137 : vector<16xf32> to vector<16xf32>
    tpu.vector_store %arg6[%swap3A_138], %swap3A_141 {strides = array<i32>} : memref<640xf32, #tpu.memory_space<vmem>>, vector<16xf32>,
    %broadcast_in_dim3A_142 = arith.constant 0.000000e+00 : f32
    %broadcast_in_dim3A_143 = vector.broadcast %broadcast_in_dim3A_142 : f32 to vector<16xf32>
    %swap3A_144 = arith.constant 256 : index
    %swap3A_145 = tpu.vector_load %arg6[%swap3A_144] {strides = array<i32>} : memref<640xf32, #tpu.memory_space<vmem>>, vector<16xf32>,
    %swap3A_146 = vector.shape_cast %swap3A_145 : vector<16xf32> to vector<16xf32>
    %swap3A_147 = vector.shape_cast %broadcast_in_dim3A_143 : vector<16xf32> to vector<16xf32>
    tpu.vector_store %arg6[%swap3A_144], %swap3A_147 {strides = array<i32>} : memref<640xf32, #tpu.memory_space<vmem>>, vector<16xf32>,
    %broadcast_in_dim3A_148 = arith.constant 0.000000e+00 : f32
    %broadcast_in_dim3A_149 = vector.broadcast %broadcast_in_dim3A_148 : f32 to vector<16xf32>
    %swap3A_150 = arith.constant 272 : index
    %swap3A_151 = tpu.vector_load %arg6[%swap3A_150] {strides = array<i32>} : memref<640xf32, #tpu.memory_space<vmem>>, vector<16xf32>,
    %swap3A_152 = vector.shape_cast %swap3A_151 : vector<16xf32> to vector<16xf32>
    %swap3A_153 = vector.shape_cast %broadcast_in_dim3A_149 : vector<16xf32> to vector<16xf32>
    tpu.vector_store %arg6[%swap3A_150], %swap3A_153 {strides = array<i32>} : memref<640xf32, #tpu.memory_space<vmem>>, vector<16xf32>,
    %broadcast_in_dim3A_154 = arith.constant 0.000000e+00 : f32
    %broadcast_in_dim3A_155 = vector.broadcast %broadcast_in_dim3A_154 : f32 to vector<16xf32>
    %swap3A_156 = arith.constant 288 : index
    %swap3A_157 = tpu.vector_load %arg6[%swap3A_156] {strides = array<i32>} : memref<640xf32, #tpu.memory_space<vmem>>, vector<16xf32>,
    %swap3A_158 = vector.shape_cast %swap3A_157 : vector<16xf32> to vector<16xf32>
    %swap3A_159 = vector.shape_cast %broadcast_in_dim3A_155 : vector<16xf32> to vector<16xf32>
    tpu.vector_store %arg6[%swap3A_156], %swap3A_159 {strides = array<i32>} : memref<640xf32, #tpu.memory_space<vmem>>, vector<16xf32>,
    %broadcast_in_dim3A_160 = arith.constant 0.000000e+00 : f32
    %broadcast_in_dim3A_161 = vector.broadcast %broadcast_in_dim3A_160 : f32 to vector<16xf32>
    %swap3A_162 = arith.constant 304 : index
    %swap3A_163 = tpu.vector_load %arg6[%swap3A_162] {strides = array<i32>} : memref<640xf32, #tpu.memory_space<vmem>>, vector<16xf32>,
    %swap3A_164 = vector.shape_cast %swap3A_163 : vector<16xf32> to vector<16xf32>
    %swap3A_165 = vector.shape_cast %broadcast_in_dim3A_161 : vector<16xf32> to vector<16xf32>
    tpu.vector_store %arg6[%swap3A_162], %swap3A_165 {strides = array<i32>} : memref<640xf32, #tpu.memory_space<vmem>>, vector<16xf32>,
    %broadcast_in_dim3A_166 = arith.constant 0.000000e+00 : f32
    %broadcast_in_dim3A_167 = vector.broadcast %broadcast_in_dim3A_166 : f32 to vector<16xf32>
    %swap3A_168 = arith.constant 320 : index
    %swap3A_169 = tpu.vector_load %arg6[%swap3A_168] {strides = array<i32>} : memref<640xf32, #tpu.memory_space<vmem>>, vector<16xf32>,
    %swap3A_170 = vector.shape_cast %swap3A_169 : vector<16xf32> to vector<16xf32>
    %swap3A_171 = vector.shape_cast %broadcast_in_dim3A_167 : vector<16xf32> to vector<16xf32>
    tpu.vector_store %arg6[%swap3A_168], %swap3A_171 {strides = array<i32>} : memref<640xf32, #tpu.memory_space<vmem>>, vector<16xf32>,
    %broadcast_in_dim3A_172 = arith.constant 0.000000e+00 : f32
    %broadcast_in_dim3A_173 = vector.broadcast %broadcast_in_dim3A_172 : f32 to vector<16xf32>
    %swap3A_174 = arith.constant 336 : index
    %swap3A_175 = tpu.vector_load %arg6[%swap3A_174] {strides = array<i32>} : memref<640xf32, #tpu.memory_space<vmem>>, vector<16xf32>,
    %swap3A_176 = vector.shape_cast %swap3A_175 : vector<16xf32> to vector<16xf32>
    %swap3A_177 = vector.shape_cast %broadcast_in_dim3A_173 : vector<16xf32> to vector<16xf32>
    tpu.vector_store %arg6[%swap3A_174], %swap3A_177 {strides = array<i32>} : memref<640xf32, #tpu.memory_space<vmem>>, vector<16xf32>,
    %broadcast_in_dim3A_178 = arith.constant 0.000000e+00 : f32
    %broadcast_in_dim3A_179 = vector.broadcast %broadcast_in_dim3A_178 : f32 to vector<16xf32>
    %swap3A_180 = arith.constant 352 : index
    %swap3A_181 = tpu.vector_load %arg6[%swap3A_180] {strides = array<i32>} : memref<640xf32, #tpu.memory_space<vmem>>, vector<16xf32>,
    %swap3A_182 = vector.shape_cast %swap3A_181 : vector<16xf32> to vector<16xf32>
    %swap3A_183 = vector.shape_cast %broadcast_in_dim3A_179 : vector<16xf32> to vector<16xf32>
    tpu.vector_store %arg6[%swap3A_180], %swap3A_183 {strides = array<i32>} : memref<640xf32, #tpu.memory_space<vmem>>, vector<16xf32>,
    %broadcast_in_dim3A_184 = arith.constant 0.000000e+00 : f32
    %broadcast_in_dim3A_185 = vector.broadcast %broadcast_in_dim3A_184 : f32 to vector<16xf32>
    %swap3A_186 = arith.constant 368 : index
    %swap3A_187 = tpu.vector_load %arg6[%swap3A_186] {strides = array<i32>} : memref<640xf32, #tpu.memory_space<vmem>>, vector<16xf32>,
    %swap3A_188 = vector.shape_cast %swap3A_187 : vector<16xf32> to vector<16xf32>
    %swap3A_189 = vector.shape_cast %broadcast_in_dim3A_185 : vector<16xf32> to vector<16xf32>
    tpu.vector_store %arg6[%swap3A_186], %swap3A_189 {strides = array<i32>} : memref<640xf32, #tpu.memory_space<vmem>>, vector<16xf32>,
    %broadcast_in_dim3A_190 = arith.constant 0.000000e+00 : f32
    %broadcast_in_dim3A_191 = vector.broadcast %broadcast_in_dim3A_190 : f32 to vector<16xf32>
    %swap3A_192 = arith.constant 384 : index
    %swap3A_193 = tpu.vector_load %arg6[%swap3A_192] {strides = array<i32>} : memref<640xf32, #tpu.memory_space<vmem>>, vector<16xf32>,
    %swap3A_194 = vector.shape_cast %swap3A_193 : vector<16xf32> to vector<16xf32>
    %swap3A_195 = vector.shape_cast %broadcast_in_dim3A_191 : vector<16xf32> to vector<16xf32>
    tpu.vector_store %arg6[%swap3A_192], %swap3A_195 {strides = array<i32>} : memref<640xf32, #tpu.memory_space<vmem>>, vector<16xf32>,
    %broadcast_in_dim3A_196 = arith.constant 0.000000e+00 : f32
    %broadcast_in_dim3A_197 = vector.broadcast %broadcast_in_dim3A_196 : f32 to vector<16xf32>
    %swap3A_198 = arith.constant 400 : index
    %swap3A_199 = tpu.vector_load %arg6[%swap3A_198] {strides = array<i32>} : memref<640xf32, #tpu.memory_space<vmem>>, vector<16xf32>,
    %swap3A_200 = vector.shape_cast %swap3A_199 : vector<16xf32> to vector<16xf32>
    %swap3A_201 = vector.shape_cast %broadcast_in_dim3A_197 : vector<16xf32> to vector<16xf32>
    tpu.vector_store %arg6[%swap3A_198], %swap3A_201 {strides = array<i32>} : memref<640xf32, #tpu.memory_space<vmem>>, vector<16xf32>,
    %broadcast_in_dim3A_202 = arith.constant 0.000000e+00 : f32
    %broadcast_in_dim3A_203 = vector.broadcast %broadcast_in_dim3A_202 : f32 to vector<16xf32>
    %swap3A_204 = arith.constant 416 : index
    %swap3A_205 = tpu.vector_load %arg6[%swap3A_204] {strides = array<i32>} : memref<640xf32, #tpu.memory_space<vmem>>, vector<16xf32>,
    %swap3A_206 = vector.shape_cast %swap3A_205 : vector<16xf32> to vector<16xf32>
    %swap3A_207 = vector.shape_cast %broadcast_in_dim3A_203 : vector<16xf32> to vector<16xf32>
    tpu.vector_store %arg6[%swap3A_204], %swap3A_207 {strides = array<i32>} : memref<640xf32, #tpu.memory_space<vmem>>, vector<16xf32>,
    %broadcast_in_dim3A_208 = arith.constant 0.000000e+00 : f32
    %broadcast_in_dim3A_209 = vector.broadcast %broadcast_in_dim3A_208 : f32 to vector<16xf32>
    %swap3A_210 = arith.constant 432 : index
    %swap3A_211 = tpu.vector_load %arg6[%swap3A_210] {strides = array<i32>} : memref<640xf32, #tpu.memory_space<vmem>>, vector<16xf32>,
    %swap3A_212 = vector.shape_cast %swap3A_211 : vector<16xf32> to vector<16xf32>
    %swap3A_213 = vector.shape_cast %broadcast_in_dim3A_209 : vector<16xf32> to vector<16xf32>
    tpu.vector_store %arg6[%swap3A_210], %swap3A_213 {strides = array<i32>} : memref<640xf32, #tpu.memory_space<vmem>>, vector<16xf32>,
    %broadcast_in_dim3A_214 = arith.constant 0.000000e+00 : f32
    %broadcast_in_dim3A_215 = vector.broadcast %broadcast_in_dim3A_214 : f32 to vector<16xf32>
    %swap3A_216 = arith.constant 448 : index
    %swap3A_217 = tpu.vector_load %arg6[%swap3A_216] {strides = array<i32>} : memref<640xf32, #tpu.memory_space<vmem>>, vector<16xf32>,
    %swap3A_218 = vector.shape_cast %swap3A_217 : vector<16xf32> to vector<16xf32>
    %swap3A_219 = vector.shape_cast %broadcast_in_dim3A_215 : vector<16xf32> to vector<16xf32>
    tpu.vector_store %arg6[%swap3A_216], %swap3A_219 {strides = array<i32>} : memref<640xf32, #tpu.memory_space<vmem>>, vector<16xf32>,
    %broadcast_in_dim3A_220 = arith.constant 0.000000e+00 : f32
    %broadcast_in_dim3A_221 = vector.broadcast %broadcast_in_dim3A_220 : f32 to vector<16xf32>
    %swap3A_222 = arith.constant 464 : index
    %swap3A_223 = tpu.vector_load %arg6[%swap3A_222] {strides = array<i32>} : memref<640xf32, #tpu.memory_space<vmem>>, vector<16xf32>,
    %swap3A_224 = vector.shape_cast %swap3A_223 : vector<16xf32> to vector<16xf32>
    %swap3A_225 = vector.shape_cast %broadcast_in_dim3A_221 : vector<16xf32> to vector<16xf32>
    tpu.vector_store %arg6[%swap3A_222], %swap3A_225 {strides = array<i32>} : memref<640xf32, #tpu.memory_space<vmem>>, vector<16xf32>,
    %broadcast_in_dim3A_226 = arith.constant 0.000000e+00 : f32
    %broadcast_in_dim3A_227 = vector.broadcast %broadcast_in_dim3A_226 : f32 to vector<16xf32>
    %swap3A_228 = arith.constant 480 : index
    %swap3A_229 = tpu.vector_load %arg6[%swap3A_228] {strides = array<i32>} : memref<640xf32, #tpu.memory_space<vmem>>, vector<16xf32>,
    %swap3A_230 = vector.shape_cast %swap3A_229 : vector<16xf32> to vector<16xf32>
    %swap3A_231 = vector.shape_cast %broadcast_in_dim3A_227 : vector<16xf32> to vector<16xf32>
    tpu.vector_store %arg6[%swap3A_228], %swap3A_231 {strides = array<i32>} : memref<640xf32, #tpu.memory_space<vmem>>, vector<16xf32>,
    %broadcast_in_dim3A_232 = arith.constant 0.000000e+00 : f32
    %broadcast_in_dim3A_233 = vector.broadcast %broadcast_in_dim3A_232 : f32 to vector<16xf32>
    %swap3A_234 = arith.constant 496 : index
    %swap3A_235 = tpu.vector_load %arg6[%swap3A_234] {strides = array<i32>} : memref<640xf32, #tpu.memory_space<vmem>>, vector<16xf32>,
    %swap3A_236 = vector.shape_cast %swap3A_235 : vector<16xf32> to vector<16xf32>
    %swap3A_237 = vector.shape_cast %broadcast_in_dim3A_233 : vector<16xf32> to vector<16xf32>
    tpu.vector_store %arg6[%swap3A_234], %swap3A_237 {strides = array<i32>} : memref<640xf32, #tpu.memory_space<vmem>>, vector<16xf32>,
    %broadcast_in_dim3A_238 = arith.constant 0.000000e+00 : f32
    %broadcast_in_dim3A_239 = vector.broadcast %broadcast_in_dim3A_238 : f32 to vector<16xf32>
    %swap3A_240 = arith.constant 512 : index
    %swap3A_241 = tpu.vector_load %arg6[%swap3A_240] {strides = array<i32>} : memref<640xf32, #tpu.memory_space<vmem>>, vector<16xf32>,
    %swap3A_242 = vector.shape_cast %swap3A_241 : vector<16xf32> to vector<16xf32>
    %swap3A_243 = vector.shape_cast %broadcast_in_dim3A_239 : vector<16xf32> to vector<16xf32>
    tpu.vector_store %arg6[%swap3A_240], %swap3A_243 {strides = array<i32>} : memref<640xf32, #tpu.memory_space<vmem>>, vector<16xf32>,
    %broadcast_in_dim3A_244 = arith.constant 0.000000e+00 : f32
    %broadcast_in_dim3A_245 = vector.broadcast %broadcast_in_dim3A_244 : f32 to vector<16xf32>
    %swap3A_246 = arith.constant 528 : index
    %swap3A_247 = tpu.vector_load %arg6[%swap3A_246] {strides = array<i32>} : memref<640xf32, #tpu.memory_space<vmem>>, vector<16xf32>,
    %swap3A_248 = vector.shape_cast %swap3A_247 : vector<16xf32> to vector<16xf32>
    %swap3A_249 = vector.shape_cast %broadcast_in_dim3A_245 : vector<16xf32> to vector<16xf32>
    tpu.vector_store %arg6[%swap3A_246], %swap3A_249 {strides = array<i32>} : memref<640xf32, #tpu.memory_space<vmem>>, vector<16xf32>,
    %broadcast_in_dim3A_250 = arith.constant 0.000000e+00 : f32
    %broadcast_in_dim3A_251 = vector.broadcast %broadcast_in_dim3A_250 : f32 to vector<16xf32>
    %swap3A_252 = arith.constant 544 : index
    %swap3A_253 = tpu.vector_load %arg6[%swap3A_252] {strides = array<i32>} : memref<640xf32, #tpu.memory_space<vmem>>, vector<16xf32>,
    %swap3A_254 = vector.shape_cast %swap3A_253 : vector<16xf32> to vector<16xf32>
    %swap3A_255 = vector.shape_cast %broadcast_in_dim3A_251 : vector<16xf32> to vector<16xf32>
    tpu.vector_store %arg6[%swap3A_252], %swap3A_255 {strides = array<i32>} : memref<640xf32, #tpu.memory_space<vmem>>, vector<16xf32>,
    %broadcast_in_dim3A_256 = arith.constant 0.000000e+00 : f32
    %broadcast_in_dim3A_257 = vector.broadcast %broadcast_in_dim3A_256 : f32 to vector<16xf32>
    %swap3A_258 = arith.constant 560 : index
    %swap3A_259 = tpu.vector_load %arg6[%swap3A_258] {strides = array<i32>} : memref<640xf32, #tpu.memory_space<vmem>>, vector<16xf32>,
    %swap3A_260 = vector.shape_cast %swap3A_259 : vector<16xf32> to vector<16xf32>
    %swap3A_261 = vector.shape_cast %broadcast_in_dim3A_257 : vector<16xf32> to vector<16xf32>
    tpu.vector_store %arg6[%swap3A_258], %swap3A_261 {strides = array<i32>} : memref<640xf32, #tpu.memory_space<vmem>>, vector<16xf32>,
    %broadcast_in_dim3A_262 = arith.constant 0.000000e+00 : f32
    %broadcast_in_dim3A_263 = vector.broadcast %broadcast_in_dim3A_262 : f32 to vector<16xf32>
    %swap3A_264 = arith.constant 576 : index
    %swap3A_265 = tpu.vector_load %arg6[%swap3A_264] {strides = array<i32>} : memref<640xf32, #tpu.memory_space<vmem>>, vector<16xf32>,
    %swap3A_266 = vector.shape_cast %swap3A_265 : vector<16xf32> to vector<16xf32>
    %swap3A_267 = vector.shape_cast %broadcast_in_dim3A_263 : vector<16xf32> to vector<16xf32>
    tpu.vector_store %arg6[%swap3A_264], %swap3A_267 {strides = array<i32>} : memref<640xf32, #tpu.memory_space<vmem>>, vector<16xf32>,
    %broadcast_in_dim3A_268 = arith.constant 0.000000e+00 : f32
    %broadcast_in_dim3A_269 = vector.broadcast %broadcast_in_dim3A_268 : f32 to vector<16xf32>
    %swap3A_270 = arith.constant 592 : index
    %swap3A_271 = tpu.vector_load %arg6[%swap3A_270] {strides = array<i32>} : memref<640xf32, #tpu.memory_space<vmem>>, vector<16xf32>,
    %swap3A_272 = vector.shape_cast %swap3A_271 : vector<16xf32> to vector<16xf32>
    %swap3A_273 = vector.shape_cast %broadcast_in_dim3A_269 : vector<16xf32> to vector<16xf32>
    tpu.vector_store %arg6[%swap3A_270], %swap3A_273 {strides = array<i32>} : memref<640xf32, #tpu.memory_space<vmem>>, vector<16xf32>,
    %broadcast_in_dim3A_274 = arith.constant 0.000000e+00 : f32
    %broadcast_in_dim3A_275 = vector.broadcast %broadcast_in_dim3A_274 : f32 to vector<16xf32>
    %swap3A_276 = arith.constant 608 : index
    %swap3A_277 = tpu.vector_load %arg6[%swap3A_276] {strides = array<i32>} : memref<640xf32, #tpu.memory_space<vmem>>, vector<16xf32>,
    %swap3A_278 = vector.shape_cast %swap3A_277 : vector<16xf32> to vector<16xf32>
    %swap3A_279 = vector.shape_cast %broadcast_in_dim3A_275 : vector<16xf32> to vector<16xf32>
    tpu.vector_store %arg6[%swap3A_276], %swap3A_279 {strides = array<i32>} : memref<640xf32, #tpu.memory_space<vmem>>, vector<16xf32>,
    %broadcast_in_dim3A_280 = arith.constant 0.000000e+00 : f32
    %broadcast_in_dim3A_281 = vector.broadcast %broadcast_in_dim3A_280 : f32 to vector<16xf32>
    %swap3A_282 = arith.constant 624 : index
    %swap3A_283 = tpu.vector_load %arg6[%swap3A_282] {strides = array<i32>} : memref<640xf32, #tpu.memory_space<vmem>>, vector<16xf32>,
    %swap3A_284 = vector.shape_cast %swap3A_283 : vector<16xf32> to vector<16xf32>
    %swap3A_285 = vector.shape_cast %broadcast_in_dim3A_281 : vector<16xf32> to vector<16xf32>
    tpu.vector_store %arg6[%swap3A_282], %swap3A_285 {strides = array<i32>} : memref<640xf32, #tpu.memory_space<vmem>>, vector<16xf32>,
    %mul3A = arith.constant 80 : i32
    %mul3A_286 = arith.muli %arg1, %mul3A : i32
    %run_scoped3A = arith.constant 1 : i32
    "tpu.region"() ({
      %run_scoped3A_305 = tpu.sem_alloc : memref<!tpu.dma_semaphore, #tpu.memory_space<semaphore_mem>>
      %dma_start3A = arith.constant 0 : i32
      %dma_start3A_306 = tpu.memref_slice %arg2[%run_scoped3A, %mul3A_286, %dma_start3A] : memref<2x1280x128xi32, #tpu.memory_space<hbm>> -> memref<1x80x128xi32, #tpu.memory_space<hbm>>
      %dma_start3A_307 = tpu.memref_squeeze %dma_start3A_306 : memref<1x80x128xi32, #tpu.memory_space<hbm>> -> memref<80x128xi32, #tpu.memory_space<hbm>>
      %dma_start3A_308 = arith.constant 0 : i32
      %dma_start3A_309 = tpu.memref_slice %arg2[%run_scoped3A, %mul3A_286, %dma_start3A_308] : memref<2x1280x128xi32, #tpu.memory_space<hbm>> -> memref<1x80x128xi32, #tpu.memory_space<hbm>>
      %dma_start3A_310 = tpu.memref_squeeze %dma_start3A_309 : memref<1x80x128xi32, #tpu.memory_space<hbm>> -> memref<80x128xi32, #tpu.memory_space<hbm>>
      tpu.enqueue_dma source(%dma_start3A_310 : memref<80x128xi32, #tpu.memory_space<hbm>>) target(%arg4 : memref<80x128xi32, #tpu.memory_space<vmem>>) target_semaphore(%run_scoped3A_305 : memref<!tpu.dma_semaphore, #tpu.memory_space<semaphore_mem>>)
      %dma_wait3A = arith.constant 0 : i32
      %dma_wait3A_311 = tpu.memref_slice %arg2[%run_scoped3A, %mul3A_286, %dma_wait3A] : memref<2x1280x128xi32, #tpu.memory_space<hbm>> -> memref<1x80x128xi32, #tpu.memory_space<hbm>>
      %dma_wait3A_312 = tpu.memref_squeeze %dma_wait3A_311 : memref<1x80x128xi32, #tpu.memory_space<hbm>> -> memref<80x128xi32, #tpu.memory_space<hbm>>
      %dma_wait3A_313 = arith.constant 0 : i32
      %dma_wait3A_314 = tpu.memref_slice %arg2[%run_scoped3A, %mul3A_286, %dma_wait3A_313] : memref<2x1280x128xi32, #tpu.memory_space<hbm>> -> memref<1x80x128xi32, #tpu.memory_space<hbm>>
      %dma_wait3A_315 = tpu.memref_squeeze %dma_wait3A_314 : memref<1x80x128xi32, #tpu.memory_space<hbm>> -> memref<80x128xi32, #tpu.memory_space<hbm>>
      tpu.wait_dma2 semaphore(%run_scoped3A_305 : memref<!tpu.dma_semaphore, #tpu.memory_space<semaphore_mem>>) src(%dma_wait3A_315 : memref<80x128xi32, #tpu.memory_space<hbm>>) dst(%arg4 : memref<80x128xi32, #tpu.memory_space<vmem>>)
      tpu.yield
    }) : () -> ()
    %mul3A_287 = arith.constant 640 : i32
    %mul3A_288 = arith.muli %arg1, %mul3A_287 : i32
    "tpu.region"() ({
      %run_scoped3A_305 = tpu.sem_alloc : memref<!tpu.dma_semaphore, #tpu.memory_space<semaphore_mem>>
      %dma_start3A = tpu.memref_slice %arg7[%mul3A_288] : memref<10240xf32, #tpu.memory_space<vmem_shared>> -> memref<640xf32, #tpu.memory_space<vmem_shared>>
      %dma_start3A_306 = tpu.memref_slice %arg7[%mul3A_288] : memref<10240xf32, #tpu.memory_space<vmem_shared>> -> memref<640xf32, #tpu.memory_space<vmem_shared>>
      tpu.enqueue_dma source(%arg6 : memref<640xf32, #tpu.memory_space<vmem>>) target(%dma_start3A_306 : memref<640xf32, #tpu.memory_space<vmem_shared>>) target_semaphore(%run_scoped3A_305 : memref<!tpu.dma_semaphore, #tpu.memory_space<semaphore_mem>>)
      %dma_wait3A = tpu.memref_slice %arg7[%mul3A_288] : memref<10240xf32, #tpu.memory_space<vmem_shared>> -> memref<640xf32, #tpu.memory_space<vmem_shared>>
      %dma_wait3A_307 = tpu.memref_slice %arg7[%mul3A_288] : memref<10240xf32, #tpu.memory_space<vmem_shared>> -> memref<640xf32, #tpu.memory_space<vmem_shared>>
      tpu.wait_dma2 semaphore(%run_scoped3A_305 : memref<!tpu.dma_semaphore, #tpu.memory_space<semaphore_mem>>) src(%arg6 : memref<640xf32, #tpu.memory_space<vmem>>) dst(%dma_wait3A_307 : memref<640xf32, #tpu.memory_space<vmem_shared>>)
      tpu.yield
    }) : () -> ()
    %barrier3A = arith.constant 0 : index
    tpu.barrier barrier_id(%barrier3A)
    %scan3A = arith.constant 0 : i32
    %scan3A_289 = arith.constant 0 : i32
    %scan3A_290 = arith.constant 40 : i32
    %scan3A_291 = arith.addi %scan3A_289, %scan3A_290 : i32
    %scan3A_292 = arith.constant 1 : i32
    scf.for %scan3A_305 = %scan3A_289 to %scan3A_291 step %scan3A_292  : i32 {
      %mul3A_306 = arith.constant 2 : i32
      %mul3A_307 = arith.muli %mul3A_306, %scan3A_305 : i32
      %add3A = arith.addi %mul3A_307, %arg0 : i32
      %dma_start3A = arith.constant 0 : i32
      %dma_start3A_308 = tpu.memref_slice %arg4[%add3A, %dma_start3A] : memref<80x128xi32, #tpu.memory_space<vmem>> -> memref<1x128xi32, #tpu.memory_space<vmem>>
      %dma_start3A_309 = tpu.memref_squeeze %dma_start3A_308 : memref<1x128xi32, #tpu.memory_space<vmem>> -> memref<128xi32, #tpu.memory_space<vmem>>
      %dma_start3A_310 = arith.constant 0 : i32
      %dma_start3A_311 = tpu.memref_slice %arg7[%dma_start3A_310] : memref<10240xf32, #tpu.memory_space<vmem_shared>> -> memref<10240xf32, #tpu.memory_space<vmem_shared>>
      tpu.enqueue_indirect_dma source(%arg5 : memref<128xf32, #tpu.memory_space<vmem>>) target(%dma_start3A_311 : memref<10240xf32, #tpu.memory_space<vmem_shared>>) offsets(%dma_start3A_309 : memref<128xi32, #tpu.memory_space<vmem>>) semaphore(%arg8 : memref<!tpu.dma_semaphore, #tpu.memory_space<semaphore_mem>>) {add = true}
    }
    %scan3A_293 = arith.constant 40 : i32
    %scan3A_294 = arith.constant 0 : i32
    %scan3A_295 = arith.constant 0 : i32
    %scan3A_296 = arith.constant 40 : i32
    %scan3A_297 = arith.addi %scan3A_295, %scan3A_296 : i32
    %scan3A_298 = arith.constant 1 : i32
    scf.for %scan3A_305 = %scan3A_295 to %scan3A_297 step %scan3A_298  : i32 {
      %dma_wait3A = arith.constant 0 : i32
      %dma_wait3A_306 = arith.constant 0 : i32
      %dma_wait3A_307 = tpu.memref_slice %arg4[%dma_wait3A, %dma_wait3A_306] : memref<80x128xi32, #tpu.memory_space<vmem>> -> memref<1x128xi32, #tpu.memory_space<vmem>>
      %dma_wait3A_308 = tpu.memref_squeeze %dma_wait3A_307 : memref<1x128xi32, #tpu.memory_space<vmem>> -> memref<128xi32, #tpu.memory_space<vmem>>
      %dma_wait3A_309 = arith.constant 0 : i32
      %dma_wait3A_310 = tpu.memref_slice %arg7[%dma_wait3A_309] : memref<10240xf32, #tpu.memory_space<vmem_shared>> -> memref<10240xf32, #tpu.memory_space<vmem_shared>>
      tpu.wait_indirect_dma semaphore(%arg8 : memref<!tpu.dma_semaphore, #tpu.memory_space<semaphore_mem>>) src(%arg5 : memref<128xf32, #tpu.memory_space<vmem>>) dst(%dma_wait3A_310 : memref<10240xf32, #tpu.memory_space<vmem_shared>>)
    }
    %scan3A_299 = arith.constant 40 : i32
    %barrier3A_300 = arith.constant 0 : index
    tpu.barrier barrier_id(%barrier3A_300)
    %mul3A_301 = arith.constant 640 : i32
    %mul3A_302 = arith.muli %arg1, %mul3A_301 : i32
    %mul3A_303 = arith.constant 640 : i32
    %mul3A_304 = arith.muli %arg1, %mul3A_303 : i32
    "tpu.region"() ({
      %run_scoped3A_305 = tpu.sem_alloc : memref<!tpu.dma_semaphore, #tpu.memory_space<semaphore_mem>>
      %dma_start3A = tpu.memref_slice %arg3[%arg0, %mul3A_304] : memref<2x10240xf32, #tpu.memory_space<hbm>> -> memref<1x640xf32, #tpu.memory_space<hbm>>
      %dma_start3A_306 = tpu.memref_squeeze %dma_start3A : memref<1x640xf32, #tpu.memory_space<hbm>> -> memref<640xf32, #tpu.memory_space<hbm>>
      %dma_start3A_307 = tpu.memref_slice %arg7[%mul3A_302] : memref<10240xf32, #tpu.memory_space<vmem_shared>> -> memref<640xf32, #tpu.memory_space<vmem_shared>>
      tpu.enqueue_dma source(%dma_start3A_307 : memref<640xf32, #tpu.memory_space<vmem_shared>>) target(%dma_start3A_306 : memref<640xf32, #tpu.memory_space<hbm>>) target_semaphore(%run_scoped3A_305 : memref<!tpu.dma_semaphore, #tpu.memory_space<semaphore_mem>>)
      %dma_wait3A = tpu.memref_slice %arg3[%arg0, %mul3A_304] : memref<2x10240xf32, #tpu.memory_space<hbm>> -> memref<1x640xf32, #tpu.memory_space<hbm>>
      %dma_wait3A_308 = tpu.memref_squeeze %dma_wait3A : memref<1x640xf32, #tpu.memory_space<hbm>> -> memref<640xf32, #tpu.memory_space<hbm>>
      %dma_wait3A_309 = tpu.memref_slice %arg7[%mul3A_302] : memref<10240xf32, #tpu.memory_space<vmem_shared>> -> memref<640xf32, #tpu.memory_space<vmem_shared>>
      tpu.wait_dma2 semaphore(%run_scoped3A_305 : memref<!tpu.dma_semaphore, #tpu.memory_space<semaphore_mem>>) src(%dma_wait3A_309 : memref<640xf32, #tpu.memory_space<vmem_shared>>) dst(%dma_wait3A_308 : memref<640xf32, #tpu.memory_space<hbm>>)
      tpu.yield
    }) : () -> ()
    return
  }
}

#map = affine_map<(d0, d1) -> (0, 0, 0)>
module attributes {stable_mosaic.version = 14 : i64} {
  func.func @_msg_sc(%arg0: i32, %arg1: i32, %arg2: memref<2x10240x128xf32, #tpu.memory_space<hbm>>, %arg3: memref<2x1280x128xi32, #tpu.memory_space<hbm>>, %arg4: memref<2x10240x128xf32, #tpu.memory_space<hbm>>, %arg5: memref<40x128xi32, #tpu.memory_space<vmem>>, %arg6: memref<40x128xi32, #tpu.memory_space<vmem>>, %arg7: memref<2x128x128xf32, #tpu.memory_space<vmem>>, %arg8: memref<10240x128xf32, #tpu.memory_space<vmem_shared>>, %arg9: memref<2x!tpu.dma_semaphore, #tpu.memory_space<semaphore_mem>>) attributes {dimension_semantics = [#tpu.dimension_semantics<core_parallel>, #tpu.dimension_semantics<subcore_parallel>], iteration_bounds = array<i64: 2, 16>, scalar_prefetch = 0 : i64, scratch_operands = 5 : i64, tpu.core_type = #tpu.core_type<sc_vector_subcore>, window_params = [{transform_indices = #map}, {transform_indices = #map}, {transform_indices = #map}]} {
    %scan3A = arith.constant 0 : i32
    %scan3A_0 = arith.constant 0 : i32
    %scan3A_1 = arith.constant 128 : i32
    %scan3A_2 = arith.addi %scan3A_0, %scan3A_1 : i32
    %scan3A_3 = arith.constant 1 : i32
    scf.for %scan3A_101 = %scan3A_0 to %scan3A_2 step %scan3A_3  : i32 {
      %broadcast_in_dim3A = arith.constant 0.000000e+00 : f32
      %broadcast_in_dim3A_102 = vector.broadcast %broadcast_in_dim3A : f32 to vector<16xf32>
      %swap3A = arith.constant 0 : i32
      %swap3A_103 = arith.index_cast %swap3A : i32 to index
      %swap3A_104 = arith.index_cast %scan3A_101 : i32 to index
      %swap3A_105 = arith.constant 0 : index
      %swap3A_106 = tpu.vector_load %arg7[%swap3A_103, %swap3A_104, %swap3A_105] {strides = array<i32>} : memref<2x128x128xf32, #tpu.memory_space<vmem>>, vector<1x1x16xf32>,
      %swap3A_107 = vector.shape_cast %swap3A_106 : vector<1x1x16xf32> to vector<16xf32>
      %swap3A_108 = vector.shape_cast %broadcast_in_dim3A_102 : vector<16xf32> to vector<1x1x16xf32>
      tpu.vector_store %arg7[%swap3A_103, %swap3A_104, %swap3A_105], %swap3A_108 {strides = array<i32>} : memref<2x128x128xf32, #tpu.memory_space<vmem>>, vector<1x1x16xf32>,
      %broadcast_in_dim3A_109 = arith.constant 0.000000e+00 : f32
      %broadcast_in_dim3A_110 = vector.broadcast %broadcast_in_dim3A_109 : f32 to vector<16xf32>
      %swap3A_111 = arith.constant 0 : i32
      %swap3A_112 = arith.index_cast %swap3A_111 : i32 to index
      %swap3A_113 = arith.index_cast %scan3A_101 : i32 to index
      %swap3A_114 = arith.constant 16 : index
      %swap3A_115 = tpu.vector_load %arg7[%swap3A_112, %swap3A_113, %swap3A_114] {strides = array<i32>} : memref<2x128x128xf32, #tpu.memory_space<vmem>>, vector<1x1x16xf32>,
      %swap3A_116 = vector.shape_cast %swap3A_115 : vector<1x1x16xf32> to vector<16xf32>
      %swap3A_117 = vector.shape_cast %broadcast_in_dim3A_110 : vector<16xf32> to vector<1x1x16xf32>
      tpu.vector_store %arg7[%swap3A_112, %swap3A_113, %swap3A_114], %swap3A_117 {strides = array<i32>} : memref<2x128x128xf32, #tpu.memory_space<vmem>>, vector<1x1x16xf32>,
      %broadcast_in_dim3A_118 = arith.constant 0.000000e+00 : f32
      %broadcast_in_dim3A_119 = vector.broadcast %broadcast_in_dim3A_118 : f32 to vector<16xf32>
      %swap3A_120 = arith.constant 0 : i32
      %swap3A_121 = arith.index_cast %swap3A_120 : i32 to index
      %swap3A_122 = arith.index_cast %scan3A_101 : i32 to index
      %swap3A_123 = arith.constant 32 : index
      %swap3A_124 = tpu.vector_load %arg7[%swap3A_121, %swap3A_122, %swap3A_123] {strides = array<i32>} : memref<2x128x128xf32, #tpu.memory_space<vmem>>, vector<1x1x16xf32>,
      %swap3A_125 = vector.shape_cast %swap3A_124 : vector<1x1x16xf32> to vector<16xf32>
      %swap3A_126 = vector.shape_cast %broadcast_in_dim3A_119 : vector<16xf32> to vector<1x1x16xf32>
      tpu.vector_store %arg7[%swap3A_121, %swap3A_122, %swap3A_123], %swap3A_126 {strides = array<i32>} : memref<2x128x128xf32, #tpu.memory_space<vmem>>, vector<1x1x16xf32>,
      %broadcast_in_dim3A_127 = arith.constant 0.000000e+00 : f32
      %broadcast_in_dim3A_128 = vector.broadcast %broadcast_in_dim3A_127 : f32 to vector<16xf32>
      %swap3A_129 = arith.constant 0 : i32
      %swap3A_130 = arith.index_cast %swap3A_129 : i32 to index
      %swap3A_131 = arith.index_cast %scan3A_101 : i32 to index
      %swap3A_132 = arith.constant 48 : index
      %swap3A_133 = tpu.vector_load %arg7[%swap3A_130, %swap3A_131, %swap3A_132] {strides = array<i32>} : memref<2x128x128xf32, #tpu.memory_space<vmem>>, vector<1x1x16xf32>,
      %swap3A_134 = vector.shape_cast %swap3A_133 : vector<1x1x16xf32> to vector<16xf32>
      %swap3A_135 = vector.shape_cast %broadcast_in_dim3A_128 : vector<16xf32> to vector<1x1x16xf32>
      tpu.vector_store %arg7[%swap3A_130, %swap3A_131, %swap3A_132], %swap3A_135 {strides = array<i32>} : memref<2x128x128xf32, #tpu.memory_space<vmem>>, vector<1x1x16xf32>,
      %broadcast_in_dim3A_136 = arith.constant 0.000000e+00 : f32
      %broadcast_in_dim3A_137 = vector.broadcast %broadcast_in_dim3A_136 : f32 to vector<16xf32>
      %swap3A_138 = arith.constant 0 : i32
      %swap3A_139 = arith.index_cast %swap3A_138 : i32 to index
      %swap3A_140 = arith.index_cast %scan3A_101 : i32 to index
      %swap3A_141 = arith.constant 64 : index
      %swap3A_142 = tpu.vector_load %arg7[%swap3A_139, %swap3A_140, %swap3A_141] {strides = array<i32>} : memref<2x128x128xf32, #tpu.memory_space<vmem>>, vector<1x1x16xf32>,
      %swap3A_143 = vector.shape_cast %swap3A_142 : vector<1x1x16xf32> to vector<16xf32>
      %swap3A_144 = vector.shape_cast %broadcast_in_dim3A_137 : vector<16xf32> to vector<1x1x16xf32>
      tpu.vector_store %arg7[%swap3A_139, %swap3A_140, %swap3A_141], %swap3A_144 {strides = array<i32>} : memref<2x128x128xf32, #tpu.memory_space<vmem>>, vector<1x1x16xf32>,
      %broadcast_in_dim3A_145 = arith.constant 0.000000e+00 : f32
      %broadcast_in_dim3A_146 = vector.broadcast %broadcast_in_dim3A_145 : f32 to vector<16xf32>
      %swap3A_147 = arith.constant 0 : i32
      %swap3A_148 = arith.index_cast %swap3A_147 : i32 to index
      %swap3A_149 = arith.index_cast %scan3A_101 : i32 to index
      %swap3A_150 = arith.constant 80 : index
      %swap3A_151 = tpu.vector_load %arg7[%swap3A_148, %swap3A_149, %swap3A_150] {strides = array<i32>} : memref<2x128x128xf32, #tpu.memory_space<vmem>>, vector<1x1x16xf32>,
      %swap3A_152 = vector.shape_cast %swap3A_151 : vector<1x1x16xf32> to vector<16xf32>
      %swap3A_153 = vector.shape_cast %broadcast_in_dim3A_146 : vector<16xf32> to vector<1x1x16xf32>
      tpu.vector_store %arg7[%swap3A_148, %swap3A_149, %swap3A_150], %swap3A_153 {strides = array<i32>} : memref<2x128x128xf32, #tpu.memory_space<vmem>>, vector<1x1x16xf32>,
      %broadcast_in_dim3A_154 = arith.constant 0.000000e+00 : f32
      %broadcast_in_dim3A_155 = vector.broadcast %broadcast_in_dim3A_154 : f32 to vector<16xf32>
      %swap3A_156 = arith.constant 0 : i32
      %swap3A_157 = arith.index_cast %swap3A_156 : i32 to index
      %swap3A_158 = arith.index_cast %scan3A_101 : i32 to index
      %swap3A_159 = arith.constant 96 : index
      %swap3A_160 = tpu.vector_load %arg7[%swap3A_157, %swap3A_158, %swap3A_159] {strides = array<i32>} : memref<2x128x128xf32, #tpu.memory_space<vmem>>, vector<1x1x16xf32>,
      %swap3A_161 = vector.shape_cast %swap3A_160 : vector<1x1x16xf32> to vector<16xf32>
      %swap3A_162 = vector.shape_cast %broadcast_in_dim3A_155 : vector<16xf32> to vector<1x1x16xf32>
      tpu.vector_store %arg7[%swap3A_157, %swap3A_158, %swap3A_159], %swap3A_162 {strides = array<i32>} : memref<2x128x128xf32, #tpu.memory_space<vmem>>, vector<1x1x16xf32>,
      %broadcast_in_dim3A_163 = arith.constant 0.000000e+00 : f32
      %broadcast_in_dim3A_164 = vector.broadcast %broadcast_in_dim3A_163 : f32 to vector<16xf32>
      %swap3A_165 = arith.constant 0 : i32
      %swap3A_166 = arith.index_cast %swap3A_165 : i32 to index
      %swap3A_167 = arith.index_cast %scan3A_101 : i32 to index
      %swap3A_168 = arith.constant 112 : index
      %swap3A_169 = tpu.vector_load %arg7[%swap3A_166, %swap3A_167, %swap3A_168] {strides = array<i32>} : memref<2x128x128xf32, #tpu.memory_space<vmem>>, vector<1x1x16xf32>,
      %swap3A_170 = vector.shape_cast %swap3A_169 : vector<1x1x16xf32> to vector<16xf32>
      %swap3A_171 = vector.shape_cast %broadcast_in_dim3A_164 : vector<16xf32> to vector<1x1x16xf32>
      tpu.vector_store %arg7[%swap3A_166, %swap3A_167, %swap3A_168], %swap3A_171 {strides = array<i32>} : memref<2x128x128xf32, #tpu.memory_space<vmem>>, vector<1x1x16xf32>,
    }
    %scan3A_4 = arith.constant 128 : i32
    %mul3A = arith.constant 640 : i32
    %mul3A_5 = arith.muli %arg1, %mul3A : i32
    %add3A = arith.constant 0 : i32
    %add3A_6 = arith.addi %mul3A_5, %add3A : i32
    %run_scoped3A = arith.constant 0 : i32
    "tpu.region"() ({
      %run_scoped3A_101 = tpu.sem_alloc : memref<!tpu.dma_semaphore, #tpu.memory_space<semaphore_mem>>
      %dma_start3A_102 = arith.constant 0 : i32
      %dma_start3A_103 = arith.constant 0 : i32
      %dma_start3A_104 = tpu.memref_slice %arg7[%run_scoped3A, %dma_start3A_102, %dma_start3A_103] : memref<2x128x128xf32, #tpu.memory_space<vmem>> -> memref<1x128x128xf32, #tpu.memory_space<vmem>>
      %dma_start3A_105 = tpu.memref_squeeze %dma_start3A_104 : memref<1x128x128xf32, #tpu.memory_space<vmem>> -> memref<128x128xf32, #tpu.memory_space<vmem>>
      %dma_start3A_106 = arith.constant 0 : i32
      %dma_start3A_107 = tpu.memref_slice %arg8[%add3A_6, %dma_start3A_106] : memref<10240x128xf32, #tpu.memory_space<vmem_shared>> -> memref<128x128xf32, #tpu.memory_space<vmem_shared>>
      %dma_start3A_108 = arith.constant 0 : i32
      %dma_start3A_109 = tpu.memref_slice %arg8[%add3A_6, %dma_start3A_108] : memref<10240x128xf32, #tpu.memory_space<vmem_shared>> -> memref<128x128xf32, #tpu.memory_space<vmem_shared>>
      %dma_start3A_110 = arith.constant 0 : i32
      %dma_start3A_111 = arith.constant 0 : i32
      %dma_start3A_112 = tpu.memref_slice %arg7[%run_scoped3A, %dma_start3A_110, %dma_start3A_111] : memref<2x128x128xf32, #tpu.memory_space<vmem>> -> memref<1x128x128xf32, #tpu.memory_space<vmem>>
      %dma_start3A_113 = tpu.memref_squeeze %dma_start3A_112 : memref<1x128x128xf32, #tpu.memory_space<vmem>> -> memref<128x128xf32, #tpu.memory_space<vmem>>
      tpu.enqueue_dma source(%dma_start3A_113 : memref<128x128xf32, #tpu.memory_space<vmem>>) target(%dma_start3A_109 : memref<128x128xf32, #tpu.memory_space<vmem_shared>>) target_semaphore(%run_scoped3A_101 : memref<!tpu.dma_semaphore, #tpu.memory_space<semaphore_mem>>)
      %dma_wait3A = arith.constant 0 : i32
      %dma_wait3A_114 = arith.constant 0 : i32
      %dma_wait3A_115 = tpu.memref_slice %arg7[%run_scoped3A, %dma_wait3A, %dma_wait3A_114] : memref<2x128x128xf32, #tpu.memory_space<vmem>> -> memref<1x128x128xf32, #tpu.memory_space<vmem>>
      %dma_wait3A_116 = tpu.memref_squeeze %dma_wait3A_115 : memref<1x128x128xf32, #tpu.memory_space<vmem>> -> memref<128x128xf32, #tpu.memory_space<vmem>>
      %dma_wait3A_117 = arith.constant 0 : i32
      %dma_wait3A_118 = tpu.memref_slice %arg8[%add3A_6, %dma_wait3A_117] : memref<10240x128xf32, #tpu.memory_space<vmem_shared>> -> memref<128x128xf32, #tpu.memory_space<vmem_shared>>
      %dma_wait3A_119 = arith.constant 0 : i32
      %dma_wait3A_120 = tpu.memref_slice %arg8[%add3A_6, %dma_wait3A_119] : memref<10240x128xf32, #tpu.memory_space<vmem_shared>> -> memref<128x128xf32, #tpu.memory_space<vmem_shared>>
      %dma_wait3A_121 = arith.constant 0 : i32
      %dma_wait3A_122 = arith.constant 0 : i32
      %dma_wait3A_123 = tpu.memref_slice %arg7[%run_scoped3A, %dma_wait3A_121, %dma_wait3A_122] : memref<2x128x128xf32, #tpu.memory_space<vmem>> -> memref<1x128x128xf32, #tpu.memory_space<vmem>>
      %dma_wait3A_124 = tpu.memref_squeeze %dma_wait3A_123 : memref<1x128x128xf32, #tpu.memory_space<vmem>> -> memref<128x128xf32, #tpu.memory_space<vmem>>
      tpu.wait_dma2 semaphore(%run_scoped3A_101 : memref<!tpu.dma_semaphore, #tpu.memory_space<semaphore_mem>>) src(%dma_wait3A_124 : memref<128x128xf32, #tpu.memory_space<vmem>>) dst(%dma_wait3A_120 : memref<128x128xf32, #tpu.memory_space<vmem_shared>>)
      tpu.yield
    }) : () -> ()
    %mul3A_7 = arith.constant 640 : i32
    %mul3A_8 = arith.muli %arg1, %mul3A_7 : i32
    %add3A_9 = arith.constant 128 : i32
    %add3A_10 = arith.addi %mul3A_8, %add3A_9 : i32
    %run_scoped3A_11 = arith.constant 0 : i32
    "tpu.region"() ({
      %run_scoped3A_101 = tpu.sem_alloc : memref<!tpu.dma_semaphore, #tpu.memory_space<semaphore_mem>>
      %dma_start3A_102 = arith.constant 0 : i32
      %dma_start3A_103 = arith.constant 0 : i32
      %dma_start3A_104 = tpu.memref_slice %arg7[%run_scoped3A_11, %dma_start3A_102, %dma_start3A_103] : memref<2x128x128xf32, #tpu.memory_space<vmem>> -> memref<1x128x128xf32, #tpu.memory_space<vmem>>
      %dma_start3A_105 = tpu.memref_squeeze %dma_start3A_104 : memref<1x128x128xf32, #tpu.memory_space<vmem>> -> memref<128x128xf32, #tpu.memory_space<vmem>>
      %dma_start3A_106 = arith.constant 0 : i32
      %dma_start3A_107 = tpu.memref_slice %arg8[%add3A_10, %dma_start3A_106] : memref<10240x128xf32, #tpu.memory_space<vmem_shared>> -> memref<128x128xf32, #tpu.memory_space<vmem_shared>>
      %dma_start3A_108 = arith.constant 0 : i32
      %dma_start3A_109 = tpu.memref_slice %arg8[%add3A_10, %dma_start3A_108] : memref<10240x128xf32, #tpu.memory_space<vmem_shared>> -> memref<128x128xf32, #tpu.memory_space<vmem_shared>>
      %dma_start3A_110 = arith.constant 0 : i32
      %dma_start3A_111 = arith.constant 0 : i32
      %dma_start3A_112 = tpu.memref_slice %arg7[%run_scoped3A_11, %dma_start3A_110, %dma_start3A_111] : memref<2x128x128xf32, #tpu.memory_space<vmem>> -> memref<1x128x128xf32, #tpu.memory_space<vmem>>
      %dma_start3A_113 = tpu.memref_squeeze %dma_start3A_112 : memref<1x128x128xf32, #tpu.memory_space<vmem>> -> memref<128x128xf32, #tpu.memory_space<vmem>>
      tpu.enqueue_dma source(%dma_start3A_113 : memref<128x128xf32, #tpu.memory_space<vmem>>) target(%dma_start3A_109 : memref<128x128xf32, #tpu.memory_space<vmem_shared>>) target_semaphore(%run_scoped3A_101 : memref<!tpu.dma_semaphore, #tpu.memory_space<semaphore_mem>>)
      %dma_wait3A = arith.constant 0 : i32
      %dma_wait3A_114 = arith.constant 0 : i32
      %dma_wait3A_115 = tpu.memref_slice %arg7[%run_scoped3A_11, %dma_wait3A, %dma_wait3A_114] : memref<2x128x128xf32, #tpu.memory_space<vmem>> -> memref<1x128x128xf32, #tpu.memory_space<vmem>>
      %dma_wait3A_116 = tpu.memref_squeeze %dma_wait3A_115 : memref<1x128x128xf32, #tpu.memory_space<vmem>> -> memref<128x128xf32, #tpu.memory_space<vmem>>
      %dma_wait3A_117 = arith.constant 0 : i32
      %dma_wait3A_118 = tpu.memref_slice %arg8[%add3A_10, %dma_wait3A_117] : memref<10240x128xf32, #tpu.memory_space<vmem_shared>> -> memref<128x128xf32, #tpu.memory_space<vmem_shared>>
      %dma_wait3A_119 = arith.constant 0 : i32
      %dma_wait3A_120 = tpu.memref_slice %arg8[%add3A_10, %dma_wait3A_119] : memref<10240x128xf32, #tpu.memory_space<vmem_shared>> -> memref<128x128xf32, #tpu.memory_space<vmem_shared>>
      %dma_wait3A_121 = arith.constant 0 : i32
      %dma_wait3A_122 = arith.constant 0 : i32
      %dma_wait3A_123 = tpu.memref_slice %arg7[%run_scoped3A_11, %dma_wait3A_121, %dma_wait3A_122] : memref<2x128x128xf32, #tpu.memory_space<vmem>> -> memref<1x128x128xf32, #tpu.memory_space<vmem>>
      %dma_wait3A_124 = tpu.memref_squeeze %dma_wait3A_123 : memref<1x128x128xf32, #tpu.memory_space<vmem>> -> memref<128x128xf32, #tpu.memory_space<vmem>>
      tpu.wait_dma2 semaphore(%run_scoped3A_101 : memref<!tpu.dma_semaphore, #tpu.memory_space<semaphore_mem>>) src(%dma_wait3A_124 : memref<128x128xf32, #tpu.memory_space<vmem>>) dst(%dma_wait3A_120 : memref<128x128xf32, #tpu.memory_space<vmem_shared>>)
      tpu.yield
    }) : () -> ()
    %mul3A_12 = arith.constant 640 : i32
    %mul3A_13 = arith.muli %arg1, %mul3A_12 : i32
    %add3A_14 = arith.constant 256 : i32
    %add3A_15 = arith.addi %mul3A_13, %add3A_14 : i32
    %run_scoped3A_16 = arith.constant 0 : i32
    "tpu.region"() ({
      %run_scoped3A_101 = tpu.sem_alloc : memref<!tpu.dma_semaphore, #tpu.memory_space<semaphore_mem>>
      %dma_start3A_102 = arith.constant 0 : i32
      %dma_start3A_103 = arith.constant 0 : i32
      %dma_start3A_104 = tpu.memref_slice %arg7[%run_scoped3A_16, %dma_start3A_102, %dma_start3A_103] : memref<2x128x128xf32, #tpu.memory_space<vmem>> -> memref<1x128x128xf32, #tpu.memory_space<vmem>>
      %dma_start3A_105 = tpu.memref_squeeze %dma_start3A_104 : memref<1x128x128xf32, #tpu.memory_space<vmem>> -> memref<128x128xf32, #tpu.memory_space<vmem>>
      %dma_start3A_106 = arith.constant 0 : i32
      %dma_start3A_107 = tpu.memref_slice %arg8[%add3A_15, %dma_start3A_106] : memref<10240x128xf32, #tpu.memory_space<vmem_shared>> -> memref<128x128xf32, #tpu.memory_space<vmem_shared>>
      %dma_start3A_108 = arith.constant 0 : i32
      %dma_start3A_109 = tpu.memref_slice %arg8[%add3A_15, %dma_start3A_108] : memref<10240x128xf32, #tpu.memory_space<vmem_shared>> -> memref<128x128xf32, #tpu.memory_space<vmem_shared>>
      %dma_start3A_110 = arith.constant 0 : i32
      %dma_start3A_111 = arith.constant 0 : i32
      %dma_start3A_112 = tpu.memref_slice %arg7[%run_scoped3A_16, %dma_start3A_110, %dma_start3A_111] : memref<2x128x128xf32, #tpu.memory_space<vmem>> -> memref<1x128x128xf32, #tpu.memory_space<vmem>>
      %dma_start3A_113 = tpu.memref_squeeze %dma_start3A_112 : memref<1x128x128xf32, #tpu.memory_space<vmem>> -> memref<128x128xf32, #tpu.memory_space<vmem>>
      tpu.enqueue_dma source(%dma_start3A_113 : memref<128x128xf32, #tpu.memory_space<vmem>>) target(%dma_start3A_109 : memref<128x128xf32, #tpu.memory_space<vmem_shared>>) target_semaphore(%run_scoped3A_101 : memref<!tpu.dma_semaphore, #tpu.memory_space<semaphore_mem>>)
      %dma_wait3A = arith.constant 0 : i32
      %dma_wait3A_114 = arith.constant 0 : i32
      %dma_wait3A_115 = tpu.memref_slice %arg7[%run_scoped3A_16, %dma_wait3A, %dma_wait3A_114] : memref<2x128x128xf32, #tpu.memory_space<vmem>> -> memref<1x128x128xf32, #tpu.memory_space<vmem>>
      %dma_wait3A_116 = tpu.memref_squeeze %dma_wait3A_115 : memref<1x128x128xf32, #tpu.memory_space<vmem>> -> memref<128x128xf32, #tpu.memory_space<vmem>>
      %dma_wait3A_117 = arith.constant 0 : i32
      %dma_wait3A_118 = tpu.memref_slice %arg8[%add3A_15, %dma_wait3A_117] : memref<10240x128xf32, #tpu.memory_space<vmem_shared>> -> memref<128x128xf32, #tpu.memory_space<vmem_shared>>
      %dma_wait3A_119 = arith.constant 0 : i32
      %dma_wait3A_120 = tpu.memref_slice %arg8[%add3A_15, %dma_wait3A_119] : memref<10240x128xf32, #tpu.memory_space<vmem_shared>> -> memref<128x128xf32, #tpu.memory_space<vmem_shared>>
      %dma_wait3A_121 = arith.constant 0 : i32
      %dma_wait3A_122 = arith.constant 0 : i32
      %dma_wait3A_123 = tpu.memref_slice %arg7[%run_scoped3A_16, %dma_wait3A_121, %dma_wait3A_122] : memref<2x128x128xf32, #tpu.memory_space<vmem>> -> memref<1x128x128xf32, #tpu.memory_space<vmem>>
      %dma_wait3A_124 = tpu.memref_squeeze %dma_wait3A_123 : memref<1x128x128xf32, #tpu.memory_space<vmem>> -> memref<128x128xf32, #tpu.memory_space<vmem>>
      tpu.wait_dma2 semaphore(%run_scoped3A_101 : memref<!tpu.dma_semaphore, #tpu.memory_space<semaphore_mem>>) src(%dma_wait3A_124 : memref<128x128xf32, #tpu.memory_space<vmem>>) dst(%dma_wait3A_120 : memref<128x128xf32, #tpu.memory_space<vmem_shared>>)
      tpu.yield
    }) : () -> ()
    %mul3A_17 = arith.constant 640 : i32
    %mul3A_18 = arith.muli %arg1, %mul3A_17 : i32
    %add3A_19 = arith.constant 384 : i32
    %add3A_20 = arith.addi %mul3A_18, %add3A_19 : i32
    %run_scoped3A_21 = arith.constant 0 : i32
    "tpu.region"() ({
      %run_scoped3A_101 = tpu.sem_alloc : memref<!tpu.dma_semaphore, #tpu.memory_space<semaphore_mem>>
      %dma_start3A_102 = arith.constant 0 : i32
      %dma_start3A_103 = arith.constant 0 : i32
      %dma_start3A_104 = tpu.memref_slice %arg7[%run_scoped3A_21, %dma_start3A_102, %dma_start3A_103] : memref<2x128x128xf32, #tpu.memory_space<vmem>> -> memref<1x128x128xf32, #tpu.memory_space<vmem>>
      %dma_start3A_105 = tpu.memref_squeeze %dma_start3A_104 : memref<1x128x128xf32, #tpu.memory_space<vmem>> -> memref<128x128xf32, #tpu.memory_space<vmem>>
      %dma_start3A_106 = arith.constant 0 : i32
      %dma_start3A_107 = tpu.memref_slice %arg8[%add3A_20, %dma_start3A_106] : memref<10240x128xf32, #tpu.memory_space<vmem_shared>> -> memref<128x128xf32, #tpu.memory_space<vmem_shared>>
      %dma_start3A_108 = arith.constant 0 : i32
      %dma_start3A_109 = tpu.memref_slice %arg8[%add3A_20, %dma_start3A_108] : memref<10240x128xf32, #tpu.memory_space<vmem_shared>> -> memref<128x128xf32, #tpu.memory_space<vmem_shared>>
      %dma_start3A_110 = arith.constant 0 : i32
      %dma_start3A_111 = arith.constant 0 : i32
      %dma_start3A_112 = tpu.memref_slice %arg7[%run_scoped3A_21, %dma_start3A_110, %dma_start3A_111] : memref<2x128x128xf32, #tpu.memory_space<vmem>> -> memref<1x128x128xf32, #tpu.memory_space<vmem>>
      %dma_start3A_113 = tpu.memref_squeeze %dma_start3A_112 : memref<1x128x128xf32, #tpu.memory_space<vmem>> -> memref<128x128xf32, #tpu.memory_space<vmem>>
      tpu.enqueue_dma source(%dma_start3A_113 : memref<128x128xf32, #tpu.memory_space<vmem>>) target(%dma_start3A_109 : memref<128x128xf32, #tpu.memory_space<vmem_shared>>) target_semaphore(%run_scoped3A_101 : memref<!tpu.dma_semaphore, #tpu.memory_space<semaphore_mem>>)
      %dma_wait3A = arith.constant 0 : i32
      %dma_wait3A_114 = arith.constant 0 : i32
      %dma_wait3A_115 = tpu.memref_slice %arg7[%run_scoped3A_21, %dma_wait3A, %dma_wait3A_114] : memref<2x128x128xf32, #tpu.memory_space<vmem>> -> memref<1x128x128xf32, #tpu.memory_space<vmem>>
      %dma_wait3A_116 = tpu.memref_squeeze %dma_wait3A_115 : memref<1x128x128xf32, #tpu.memory_space<vmem>> -> memref<128x128xf32, #tpu.memory_space<vmem>>
      %dma_wait3A_117 = arith.constant 0 : i32
      %dma_wait3A_118 = tpu.memref_slice %arg8[%add3A_20, %dma_wait3A_117] : memref<10240x128xf32, #tpu.memory_space<vmem_shared>> -> memref<128x128xf32, #tpu.memory_space<vmem_shared>>
      %dma_wait3A_119 = arith.constant 0 : i32
      %dma_wait3A_120 = tpu.memref_slice %arg8[%add3A_20, %dma_wait3A_119] : memref<10240x128xf32, #tpu.memory_space<vmem_shared>> -> memref<128x128xf32, #tpu.memory_space<vmem_shared>>
      %dma_wait3A_121 = arith.constant 0 : i32
      %dma_wait3A_122 = arith.constant 0 : i32
      %dma_wait3A_123 = tpu.memref_slice %arg7[%run_scoped3A_21, %dma_wait3A_121, %dma_wait3A_122] : memref<2x128x128xf32, #tpu.memory_space<vmem>> -> memref<1x128x128xf32, #tpu.memory_space<vmem>>
      %dma_wait3A_124 = tpu.memref_squeeze %dma_wait3A_123 : memref<1x128x128xf32, #tpu.memory_space<vmem>> -> memref<128x128xf32, #tpu.memory_space<vmem>>
      tpu.wait_dma2 semaphore(%run_scoped3A_101 : memref<!tpu.dma_semaphore, #tpu.memory_space<semaphore_mem>>) src(%dma_wait3A_124 : memref<128x128xf32, #tpu.memory_space<vmem>>) dst(%dma_wait3A_120 : memref<128x128xf32, #tpu.memory_space<vmem_shared>>)
      tpu.yield
    }) : () -> ()
    %mul3A_22 = arith.constant 640 : i32
    %mul3A_23 = arith.muli %arg1, %mul3A_22 : i32
    %add3A_24 = arith.constant 512 : i32
    %add3A_25 = arith.addi %mul3A_23, %add3A_24 : i32
    %run_scoped3A_26 = arith.constant 0 : i32
    "tpu.region"() ({
      %run_scoped3A_101 = tpu.sem_alloc : memref<!tpu.dma_semaphore, #tpu.memory_space<semaphore_mem>>
      %dma_start3A_102 = arith.constant 0 : i32
      %dma_start3A_103 = arith.constant 0 : i32
      %dma_start3A_104 = tpu.memref_slice %arg7[%run_scoped3A_26, %dma_start3A_102, %dma_start3A_103] : memref<2x128x128xf32, #tpu.memory_space<vmem>> -> memref<1x128x128xf32, #tpu.memory_space<vmem>>
      %dma_start3A_105 = tpu.memref_squeeze %dma_start3A_104 : memref<1x128x128xf32, #tpu.memory_space<vmem>> -> memref<128x128xf32, #tpu.memory_space<vmem>>
      %dma_start3A_106 = arith.constant 0 : i32
      %dma_start3A_107 = tpu.memref_slice %arg8[%add3A_25, %dma_start3A_106] : memref<10240x128xf32, #tpu.memory_space<vmem_shared>> -> memref<128x128xf32, #tpu.memory_space<vmem_shared>>
      %dma_start3A_108 = arith.constant 0 : i32
      %dma_start3A_109 = tpu.memref_slice %arg8[%add3A_25, %dma_start3A_108] : memref<10240x128xf32, #tpu.memory_space<vmem_shared>> -> memref<128x128xf32, #tpu.memory_space<vmem_shared>>
      %dma_start3A_110 = arith.constant 0 : i32
      %dma_start3A_111 = arith.constant 0 : i32
      %dma_start3A_112 = tpu.memref_slice %arg7[%run_scoped3A_26, %dma_start3A_110, %dma_start3A_111] : memref<2x128x128xf32, #tpu.memory_space<vmem>> -> memref<1x128x128xf32, #tpu.memory_space<vmem>>
      %dma_start3A_113 = tpu.memref_squeeze %dma_start3A_112 : memref<1x128x128xf32, #tpu.memory_space<vmem>> -> memref<128x128xf32, #tpu.memory_space<vmem>>
      tpu.enqueue_dma source(%dma_start3A_113 : memref<128x128xf32, #tpu.memory_space<vmem>>) target(%dma_start3A_109 : memref<128x128xf32, #tpu.memory_space<vmem_shared>>) target_semaphore(%run_scoped3A_101 : memref<!tpu.dma_semaphore, #tpu.memory_space<semaphore_mem>>)
      %dma_wait3A = arith.constant 0 : i32
      %dma_wait3A_114 = arith.constant 0 : i32
      %dma_wait3A_115 = tpu.memref_slice %arg7[%run_scoped3A_26, %dma_wait3A, %dma_wait3A_114] : memref<2x128x128xf32, #tpu.memory_space<vmem>> -> memref<1x128x128xf32, #tpu.memory_space<vmem>>
      %dma_wait3A_116 = tpu.memref_squeeze %dma_wait3A_115 : memref<1x128x128xf32, #tpu.memory_space<vmem>> -> memref<128x128xf32, #tpu.memory_space<vmem>>
      %dma_wait3A_117 = arith.constant 0 : i32
      %dma_wait3A_118 = tpu.memref_slice %arg8[%add3A_25, %dma_wait3A_117] : memref<10240x128xf32, #tpu.memory_space<vmem_shared>> -> memref<128x128xf32, #tpu.memory_space<vmem_shared>>
      %dma_wait3A_119 = arith.constant 0 : i32
      %dma_wait3A_120 = tpu.memref_slice %arg8[%add3A_25, %dma_wait3A_119] : memref<10240x128xf32, #tpu.memory_space<vmem_shared>> -> memref<128x128xf32, #tpu.memory_space<vmem_shared>>
      %dma_wait3A_121 = arith.constant 0 : i32
      %dma_wait3A_122 = arith.constant 0 : i32
      %dma_wait3A_123 = tpu.memref_slice %arg7[%run_scoped3A_26, %dma_wait3A_121, %dma_wait3A_122] : memref<2x128x128xf32, #tpu.memory_space<vmem>> -> memref<1x128x128xf32, #tpu.memory_space<vmem>>
      %dma_wait3A_124 = tpu.memref_squeeze %dma_wait3A_123 : memref<1x128x128xf32, #tpu.memory_space<vmem>> -> memref<128x128xf32, #tpu.memory_space<vmem>>
      tpu.wait_dma2 semaphore(%run_scoped3A_101 : memref<!tpu.dma_semaphore, #tpu.memory_space<semaphore_mem>>) src(%dma_wait3A_124 : memref<128x128xf32, #tpu.memory_space<vmem>>) dst(%dma_wait3A_120 : memref<128x128xf32, #tpu.memory_space<vmem_shared>>)
      tpu.yield
    }) : () -> ()
    %barrier3A = arith.constant 0 : index
    tpu.barrier barrier_id(%barrier3A)
    %mul3A_27 = arith.constant 80 : i32
    %mul3A_28 = arith.muli %arg1, %mul3A_27 : i32
    %add3A_29 = arith.constant 0 : i32
    %add3A_30 = arith.addi %mul3A_28, %add3A_29 : i32
    %run_scoped3A_31 = arith.constant 0 : i32
    "tpu.region"() ({
      %run_scoped3A_101 = tpu.sem_alloc : memref<!tpu.dma_semaphore, #tpu.memory_space<semaphore_mem>>
      %dma_start3A_102 = arith.constant 0 : i32
      %dma_start3A_103 = tpu.memref_slice %arg3[%run_scoped3A_31, %add3A_30, %dma_start3A_102] : memref<2x1280x128xi32, #tpu.memory_space<hbm>> -> memref<1x40x128xi32, #tpu.memory_space<hbm>>
      %dma_start3A_104 = tpu.memref_squeeze %dma_start3A_103 : memref<1x40x128xi32, #tpu.memory_space<hbm>> -> memref<40x128xi32, #tpu.memory_space<hbm>>
      %dma_start3A_105 = arith.constant 0 : i32
      %dma_start3A_106 = tpu.memref_slice %arg3[%run_scoped3A_31, %add3A_30, %dma_start3A_105] : memref<2x1280x128xi32, #tpu.memory_space<hbm>> -> memref<1x40x128xi32, #tpu.memory_space<hbm>>
      %dma_start3A_107 = tpu.memref_squeeze %dma_start3A_106 : memref<1x40x128xi32, #tpu.memory_space<hbm>> -> memref<40x128xi32, #tpu.memory_space<hbm>>
      tpu.enqueue_dma source(%dma_start3A_107 : memref<40x128xi32, #tpu.memory_space<hbm>>) target(%arg5 : memref<40x128xi32, #tpu.memory_space<vmem>>) target_semaphore(%run_scoped3A_101 : memref<!tpu.dma_semaphore, #tpu.memory_space<semaphore_mem>>)
      %dma_wait3A = arith.constant 0 : i32
      %dma_wait3A_108 = tpu.memref_slice %arg3[%run_scoped3A_31, %add3A_30, %dma_wait3A] : memref<2x1280x128xi32, #tpu.memory_space<hbm>> -> memref<1x40x128xi32, #tpu.memory_space<hbm>>
      %dma_wait3A_109 = tpu.memref_squeeze %dma_wait3A_108 : memref<1x40x128xi32, #tpu.memory_space<hbm>> -> memref<40x128xi32, #tpu.memory_space<hbm>>
      %dma_wait3A_110 = arith.constant 0 : i32
      %dma_wait3A_111 = tpu.memref_slice %arg3[%run_scoped3A_31, %add3A_30, %dma_wait3A_110] : memref<2x1280x128xi32, #tpu.memory_space<hbm>> -> memref<1x40x128xi32, #tpu.memory_space<hbm>>
      %dma_wait3A_112 = tpu.memref_squeeze %dma_wait3A_111 : memref<1x40x128xi32, #tpu.memory_space<hbm>> -> memref<40x128xi32, #tpu.memory_space<hbm>>
      tpu.wait_dma2 semaphore(%run_scoped3A_101 : memref<!tpu.dma_semaphore, #tpu.memory_space<semaphore_mem>>) src(%dma_wait3A_112 : memref<40x128xi32, #tpu.memory_space<hbm>>) dst(%arg5 : memref<40x128xi32, #tpu.memory_space<vmem>>)
      tpu.yield
    }) : () -> ()
    %mul3A_32 = arith.constant 80 : i32
    %mul3A_33 = arith.muli %arg1, %mul3A_32 : i32
    %add3A_34 = arith.constant 0 : i32
    %add3A_35 = arith.addi %mul3A_33, %add3A_34 : i32
    %run_scoped3A_36 = arith.constant 1 : i32
    "tpu.region"() ({
      %run_scoped3A_101 = tpu.sem_alloc : memref<!tpu.dma_semaphore, #tpu.memory_space<semaphore_mem>>
      %dma_start3A_102 = arith.constant 0 : i32
      %dma_start3A_103 = tpu.memref_slice %arg3[%run_scoped3A_36, %add3A_35, %dma_start3A_102] : memref<2x1280x128xi32, #tpu.memory_space<hbm>> -> memref<1x40x128xi32, #tpu.memory_space<hbm>>
      %dma_start3A_104 = tpu.memref_squeeze %dma_start3A_103 : memref<1x40x128xi32, #tpu.memory_space<hbm>> -> memref<40x128xi32, #tpu.memory_space<hbm>>
      %dma_start3A_105 = arith.constant 0 : i32
      %dma_start3A_106 = tpu.memref_slice %arg3[%run_scoped3A_36, %add3A_35, %dma_start3A_105] : memref<2x1280x128xi32, #tpu.memory_space<hbm>> -> memref<1x40x128xi32, #tpu.memory_space<hbm>>
      %dma_start3A_107 = tpu.memref_squeeze %dma_start3A_106 : memref<1x40x128xi32, #tpu.memory_space<hbm>> -> memref<40x128xi32, #tpu.memory_space<hbm>>
      tpu.enqueue_dma source(%dma_start3A_107 : memref<40x128xi32, #tpu.memory_space<hbm>>) target(%arg6 : memref<40x128xi32, #tpu.memory_space<vmem>>) target_semaphore(%run_scoped3A_101 : memref<!tpu.dma_semaphore, #tpu.memory_space<semaphore_mem>>)
      %dma_wait3A = arith.constant 0 : i32
      %dma_wait3A_108 = tpu.memref_slice %arg3[%run_scoped3A_36, %add3A_35, %dma_wait3A] : memref<2x1280x128xi32, #tpu.memory_space<hbm>> -> memref<1x40x128xi32, #tpu.memory_space<hbm>>
      %dma_wait3A_109 = tpu.memref_squeeze %dma_wait3A_108 : memref<1x40x128xi32, #tpu.memory_space<hbm>> -> memref<40x128xi32, #tpu.memory_space<hbm>>
      %dma_wait3A_110 = arith.constant 0 : i32
      %dma_wait3A_111 = tpu.memref_slice %arg3[%run_scoped3A_36, %add3A_35, %dma_wait3A_110] : memref<2x1280x128xi32, #tpu.memory_space<hbm>> -> memref<1x40x128xi32, #tpu.memory_space<hbm>>
      %dma_wait3A_112 = tpu.memref_squeeze %dma_wait3A_111 : memref<1x40x128xi32, #tpu.memory_space<hbm>> -> memref<40x128xi32, #tpu.memory_space<hbm>>
      tpu.wait_dma2 semaphore(%run_scoped3A_101 : memref<!tpu.dma_semaphore, #tpu.memory_space<semaphore_mem>>) src(%dma_wait3A_112 : memref<40x128xi32, #tpu.memory_space<hbm>>) dst(%arg6 : memref<40x128xi32, #tpu.memory_space<vmem>>)
      tpu.yield
    }) : () -> ()
    %dma_start3A = arith.constant 0 : i32
    %dma_start3A_37 = arith.constant 0 : i32
    %dma_start3A_38 = arith.constant 0 : i32
    %dma_start3A_39 = arith.constant 0 : i32
    %dma_start3A_40 = arith.constant 0 : i32
    %dma_start3A_41 = tpu.memref_slice %arg7[%dma_start3A_37, %dma_start3A_39, %dma_start3A_40] : memref<2x128x128xf32, #tpu.memory_space<vmem>> -> memref<1x128x128xf32, #tpu.memory_space<vmem>>
    %dma_start3A_42 = tpu.memref_squeeze %dma_start3A_41 : memref<1x128x128xf32, #tpu.memory_space<vmem>> -> memref<128x128xf32, #tpu.memory_space<vmem>>
    %dma_start3A_43 = arith.constant 0 : i32
    %dma_start3A_44 = tpu.memref_slice %arg5[%dma_start3A, %dma_start3A_43] : memref<40x128xi32, #tpu.memory_space<vmem>> -> memref<1x128xi32, #tpu.memory_space<vmem>>
    %dma_start3A_45 = tpu.memref_squeeze %dma_start3A_44 : memref<1x128xi32, #tpu.memory_space<vmem>> -> memref<128xi32, #tpu.memory_space<vmem>>
    %dma_start3A_46 = arith.constant 0 : i32
    %dma_start3A_47 = arith.constant 0 : i32
    %dma_start3A_48 = tpu.memref_slice %arg2[%arg0, %dma_start3A_46, %dma_start3A_47] : memref<2x10240x128xf32, #tpu.memory_space<hbm>> -> memref<1x10240x128xf32, #tpu.memory_space<hbm>>
    %dma_start3A_49 = tpu.memref_squeeze %dma_start3A_48 : memref<1x10240x128xf32, #tpu.memory_space<hbm>> -> memref<10240x128xf32, #tpu.memory_space<hbm>>
    %dma_start3A_50 = arith.constant 0 : i32
    %dma_start3A_51 = arith.constant 0 : i32
    %dma_start3A_52 = tpu.memref_slice %dma_start3A_49[%dma_start3A_50, %dma_start3A_51] : memref<10240x128xf32, #tpu.memory_space<hbm>> -> memref<10240x128xf32, #tpu.memory_space<hbm>>
    %dma_start3A_53 = tpu.memref_slice %arg9[%dma_start3A_38] : memref<2x!tpu.dma_semaphore, #tpu.memory_space<semaphore_mem>> -> memref<1x!tpu.dma_semaphore, #tpu.memory_space<semaphore_mem>>
    %dma_start3A_54 = tpu.memref_squeeze %dma_start3A_53 : memref<1x!tpu.dma_semaphore, #tpu.memory_space<semaphore_mem>> -> memref<!tpu.dma_semaphore, #tpu.memory_space<semaphore_mem>>
    tpu.enqueue_indirect_dma source(%dma_start3A_52 : memref<10240x128xf32, #tpu.memory_space<hbm>>) target(%dma_start3A_42 : memref<128x128xf32, #tpu.memory_space<vmem>>) offsets(%dma_start3A_45 : memref<128xi32, #tpu.memory_space<vmem>>) semaphore(%dma_start3A_54 : memref<!tpu.dma_semaphore, #tpu.memory_space<semaphore_mem>>)
    %scan3A_55 = arith.constant 40 : i32
    %scan3A_56 = arith.constant 0 : i32
    %scan3A_57 = arith.constant 40 : i32
    %scan3A_58 = arith.addi %scan3A_56, %scan3A_57 : i32
    %scan3A_59 = arith.constant 1 : i32
    scf.for %scan3A_101 = %scan3A_56 to %scan3A_58 step %scan3A_59  : i32 {
      %rem3A = arith.constant 2 : i32
      %rem3A_102 = arith.remsi %scan3A_101, %rem3A : i32
      %add3A_103 = arith.constant 1 : i32
      %add3A_104 = arith.addi %scan3A_101, %add3A_103 : i32
      %rem3A_105 = arith.constant 2 : i32
      %rem3A_106 = arith.remsi %add3A_104, %rem3A_105 : i32
      %add3A_107 = arith.constant 1 : i32
      %add3A_108 = arith.addi %scan3A_101, %add3A_107 : i32
      %lt3A = arith.cmpi slt, %add3A_108, %scan3A_55 : i32
      %convert_element_type3A = arith.extui %lt3A : i1 to i32
      %cond3A = arith.constant 0 : i32
      %cond3A_109 = arith.cmpi ne, %convert_element_type3A, %cond3A : i32
      scf.if %cond3A_109 {
        %add3A_126 = arith.constant 1 : i32
        %add3A_127 = arith.addi %scan3A_101, %add3A_126 : i32
        %dma_start3A_128 = arith.constant 0 : i32
        %dma_start3A_129 = arith.constant 0 : i32
        %dma_start3A_130 = tpu.memref_slice %arg7[%rem3A_106, %dma_start3A_128, %dma_start3A_129] : memref<2x128x128xf32, #tpu.memory_space<vmem>> -> memref<1x128x128xf32, #tpu.memory_space<vmem>>
        %dma_start3A_131 = tpu.memref_squeeze %dma_start3A_130 : memref<1x128x128xf32, #tpu.memory_space<vmem>> -> memref<128x128xf32, #tpu.memory_space<vmem>>
        %dma_start3A_132 = arith.constant 0 : i32
        %dma_start3A_133 = tpu.memref_slice %arg5[%add3A_127, %dma_start3A_132] : memref<40x128xi32, #tpu.memory_space<vmem>> -> memref<1x128xi32, #tpu.memory_space<vmem>>
        %dma_start3A_134 = tpu.memref_squeeze %dma_start3A_133 : memref<1x128xi32, #tpu.memory_space<vmem>> -> memref<128xi32, #tpu.memory_space<vmem>>
        %dma_start3A_135 = arith.constant 0 : i32
        %dma_start3A_136 = arith.constant 0 : i32
        %dma_start3A_137 = tpu.memref_slice %arg2[%arg0, %dma_start3A_135, %dma_start3A_136] : memref<2x10240x128xf32, #tpu.memory_space<hbm>> -> memref<1x10240x128xf32, #tpu.memory_space<hbm>>
        %dma_start3A_138 = tpu.memref_squeeze %dma_start3A_137 : memref<1x10240x128xf32, #tpu.memory_space<hbm>> -> memref<10240x128xf32, #tpu.memory_space<hbm>>
        %dma_start3A_139 = arith.constant 0 : i32
        %dma_start3A_140 = arith.constant 0 : i32
        %dma_start3A_141 = tpu.memref_slice %dma_start3A_138[%dma_start3A_139, %dma_start3A_140] : memref<10240x128xf32, #tpu.memory_space<hbm>> -> memref<10240x128xf32, #tpu.memory_space<hbm>>
        %dma_start3A_142 = tpu.memref_slice %arg9[%rem3A_106] : memref<2x!tpu.dma_semaphore, #tpu.memory_space<semaphore_mem>> -> memref<1x!tpu.dma_semaphore, #tpu.memory_space<semaphore_mem>>
        %dma_start3A_143 = tpu.memref_squeeze %dma_start3A_142 : memref<1x!tpu.dma_semaphore, #tpu.memory_space<semaphore_mem>> -> memref<!tpu.dma_semaphore, #tpu.memory_space<semaphore_mem>>
        tpu.enqueue_indirect_dma source(%dma_start3A_141 : memref<10240x128xf32, #tpu.memory_space<hbm>>) target(%dma_start3A_131 : memref<128x128xf32, #tpu.memory_space<vmem>>) offsets(%dma_start3A_134 : memref<128xi32, #tpu.memory_space<vmem>>) semaphore(%dma_start3A_143 : memref<!tpu.dma_semaphore, #tpu.memory_space<semaphore_mem>>)
      } else {
      }
      %dma_wait3A = arith.constant 0 : i32
      %dma_wait3A_110 = arith.constant 0 : i32
      %dma_wait3A_111 = arith.constant 0 : i32
      %dma_wait3A_112 = tpu.memref_slice %arg7[%rem3A_102, %dma_wait3A_110, %dma_wait3A_111] : memref<2x128x128xf32, #tpu.memory_space<vmem>> -> memref<1x128x128xf32, #tpu.memory_space<vmem>>
      %dma_wait3A_113 = tpu.memref_squeeze %dma_wait3A_112 : memref<1x128x128xf32, #tpu.memory_space<vmem>> -> memref<128x128xf32, #tpu.memory_space<vmem>>
      %dma_wait3A_114 = arith.constant 0 : i32
      %dma_wait3A_115 = tpu.memref_slice %arg5[%dma_wait3A, %dma_wait3A_114] : memref<40x128xi32, #tpu.memory_space<vmem>> -> memref<1x128xi32, #tpu.memory_space<vmem>>
      %dma_wait3A_116 = tpu.memref_squeeze %dma_wait3A_115 : memref<1x128xi32, #tpu.memory_space<vmem>> -> memref<128xi32, #tpu.memory_space<vmem>>
      %dma_wait3A_117 = arith.constant 0 : i32
      %dma_wait3A_118 = arith.constant 0 : i32
      %dma_wait3A_119 = tpu.memref_slice %arg2[%arg0, %dma_wait3A_117, %dma_wait3A_118] : memref<2x10240x128xf32, #tpu.memory_space<hbm>> -> memref<1x10240x128xf32, #tpu.memory_space<hbm>>
      %dma_wait3A_120 = tpu.memref_squeeze %dma_wait3A_119 : memref<1x10240x128xf32, #tpu.memory_space<hbm>> -> memref<10240x128xf32, #tpu.memory_space<hbm>>
      %dma_wait3A_121 = arith.constant 0 : i32
      %dma_wait3A_122 = arith.constant 0 : i32
      %dma_wait3A_123 = tpu.memref_slice %dma_wait3A_120[%dma_wait3A_121, %dma_wait3A_122] : memref<10240x128xf32, #tpu.memory_space<hbm>> -> memref<10240x128xf32, #tpu.memory_space<hbm>>
      %dma_wait3A_124 = tpu.memref_slice %arg9[%rem3A_102] : memref<2x!tpu.dma_semaphore, #tpu.memory_space<semaphore_mem>> -> memref<1x!tpu.dma_semaphore, #tpu.memory_space<semaphore_mem>>
      %dma_wait3A_125 = tpu.memref_squeeze %dma_wait3A_124 : memref<1x!tpu.dma_semaphore, #tpu.memory_space<semaphore_mem>> -> memref<!tpu.dma_semaphore, #tpu.memory_space<semaphore_mem>>
      tpu.wait_indirect_dma semaphore(%dma_wait3A_125 : memref<!tpu.dma_semaphore, #tpu.memory_space<semaphore_mem>>) src(%dma_wait3A_123 : memref<10240x128xf32, #tpu.memory_space<hbm>>) dst(%dma_wait3A_113 : memref<128x128xf32, #tpu.memory_space<vmem>>)
      "tpu.region"() ({
        %run_scoped3A_126 = tpu.sem_alloc : memref<!tpu.dma_semaphore, #tpu.memory_space<semaphore_mem>>
        %dma_start3A_127 = arith.constant 0 : i32
        %dma_start3A_128 = arith.constant 0 : i32
        %dma_start3A_129 = tpu.memref_slice %arg7[%rem3A_102, %dma_start3A_127, %dma_start3A_128] : memref<2x128x128xf32, #tpu.memory_space<vmem>> -> memref<1x128x128xf32, #tpu.memory_space<vmem>>
        %dma_start3A_130 = tpu.memref_squeeze %dma_start3A_129 : memref<1x128x128xf32, #tpu.memory_space<vmem>> -> memref<128x128xf32, #tpu.memory_space<vmem>>
        %dma_start3A_131 = arith.constant 0 : i32
        %dma_start3A_132 = tpu.memref_slice %arg6[%scan3A_101, %dma_start3A_131] : memref<40x128xi32, #tpu.memory_space<vmem>> -> memref<1x128xi32, #tpu.memory_space<vmem>>
        %dma_start3A_133 = tpu.memref_squeeze %dma_start3A_132 : memref<1x128xi32, #tpu.memory_space<vmem>> -> memref<128xi32, #tpu.memory_space<vmem>>
        %dma_start3A_134 = arith.constant 0 : i32
        %dma_start3A_135 = arith.constant 0 : i32
        %dma_start3A_136 = tpu.memref_slice %arg8[%dma_start3A_134, %dma_start3A_135] : memref<10240x128xf32, #tpu.memory_space<vmem_shared>> -> memref<10240x128xf32, #tpu.memory_space<vmem_shared>>
        tpu.enqueue_indirect_dma source(%dma_start3A_130 : memref<128x128xf32, #tpu.memory_space<vmem>>) target(%dma_start3A_136 : memref<10240x128xf32, #tpu.memory_space<vmem_shared>>) offsets(%dma_start3A_133 : memref<128xi32, #tpu.memory_space<vmem>>) semaphore(%run_scoped3A_126 : memref<!tpu.dma_semaphore, #tpu.memory_space<semaphore_mem>>) {add = true}
        %dma_wait3A_137 = arith.constant 0 : i32
        %dma_wait3A_138 = arith.constant 0 : i32
        %dma_wait3A_139 = tpu.memref_slice %arg7[%rem3A_102, %dma_wait3A_137, %dma_wait3A_138] : memref<2x128x128xf32, #tpu.memory_space<vmem>> -> memref<1x128x128xf32, #tpu.memory_space<vmem>>
        %dma_wait3A_140 = tpu.memref_squeeze %dma_wait3A_139 : memref<1x128x128xf32, #tpu.memory_space<vmem>> -> memref<128x128xf32, #tpu.memory_space<vmem>>
        %dma_wait3A_141 = arith.constant 0 : i32
        %dma_wait3A_142 = tpu.memref_slice %arg6[%scan3A_101, %dma_wait3A_141] : memref<40x128xi32, #tpu.memory_space<vmem>> -> memref<1x128xi32, #tpu.memory_space<vmem>>
        %dma_wait3A_143 = tpu.memref_squeeze %dma_wait3A_142 : memref<1x128xi32, #tpu.memory_space<vmem>> -> memref<128xi32, #tpu.memory_space<vmem>>
        %dma_wait3A_144 = arith.constant 0 : i32
        %dma_wait3A_145 = arith.constant 0 : i32
        %dma_wait3A_146 = tpu.memref_slice %arg8[%dma_wait3A_144, %dma_wait3A_145] : memref<10240x128xf32, #tpu.memory_space<vmem_shared>> -> memref<10240x128xf32, #tpu.memory_space<vmem_shared>>
        tpu.wait_indirect_dma semaphore(%run_scoped3A_126 : memref<!tpu.dma_semaphore, #tpu.memory_space<semaphore_mem>>) src(%dma_wait3A_140 : memref<128x128xf32, #tpu.memory_space<vmem>>) dst(%dma_wait3A_146 : memref<10240x128xf32, #tpu.memory_space<vmem_shared>>)
        tpu.yield
      }) : () -> ()
    }
    %scan3A_60 = arith.constant 40 : i32
    %mul3A_61 = arith.constant 80 : i32
    %mul3A_62 = arith.muli %arg1, %mul3A_61 : i32
    %add3A_63 = arith.constant 40 : i32
    %add3A_64 = arith.addi %mul3A_62, %add3A_63 : i32
    %run_scoped3A_65 = arith.constant 0 : i32
    "tpu.region"() ({
      %run_scoped3A_101 = tpu.sem_alloc : memref<!tpu.dma_semaphore, #tpu.memory_space<semaphore_mem>>
      %dma_start3A_102 = arith.constant 0 : i32
      %dma_start3A_103 = tpu.memref_slice %arg3[%run_scoped3A_65, %add3A_64, %dma_start3A_102] : memref<2x1280x128xi32, #tpu.memory_space<hbm>> -> memref<1x40x128xi32, #tpu.memory_space<hbm>>
      %dma_start3A_104 = tpu.memref_squeeze %dma_start3A_103 : memref<1x40x128xi32, #tpu.memory_space<hbm>> -> memref<40x128xi32, #tpu.memory_space<hbm>>
      %dma_start3A_105 = arith.constant 0 : i32
      %dma_start3A_106 = tpu.memref_slice %arg3[%run_scoped3A_65, %add3A_64, %dma_start3A_105] : memref<2x1280x128xi32, #tpu.memory_space<hbm>> -> memref<1x40x128xi32, #tpu.memory_space<hbm>>
      %dma_start3A_107 = tpu.memref_squeeze %dma_start3A_106 : memref<1x40x128xi32, #tpu.memory_space<hbm>> -> memref<40x128xi32, #tpu.memory_space<hbm>>
      tpu.enqueue_dma source(%dma_start3A_107 : memref<40x128xi32, #tpu.memory_space<hbm>>) target(%arg5 : memref<40x128xi32, #tpu.memory_space<vmem>>) target_semaphore(%run_scoped3A_101 : memref<!tpu.dma_semaphore, #tpu.memory_space<semaphore_mem>>)
      %dma_wait3A = arith.constant 0 : i32
      %dma_wait3A_108 = tpu.memref_slice %arg3[%run_scoped3A_65, %add3A_64, %dma_wait3A] : memref<2x1280x128xi32, #tpu.memory_space<hbm>> -> memref<1x40x128xi32, #tpu.memory_space<hbm>>
      %dma_wait3A_109 = tpu.memref_squeeze %dma_wait3A_108 : memref<1x40x128xi32, #tpu.memory_space<hbm>> -> memref<40x128xi32, #tpu.memory_space<hbm>>
      %dma_wait3A_110 = arith.constant 0 : i32
      %dma_wait3A_111 = tpu.memref_slice %arg3[%run_scoped3A_65, %add3A_64, %dma_wait3A_110] : memref<2x1280x128xi32, #tpu.memory_space<hbm>> -> memref<1x40x128xi32, #tpu.memory_space<hbm>>
      %dma_wait3A_112 = tpu.memref_squeeze %dma_wait3A_111 : memref<1x40x128xi32, #tpu.memory_space<hbm>> -> memref<40x128xi32, #tpu.memory_space<hbm>>
      tpu.wait_dma2 semaphore(%run_scoped3A_101 : memref<!tpu.dma_semaphore, #tpu.memory_space<semaphore_mem>>) src(%dma_wait3A_112 : memref<40x128xi32, #tpu.memory_space<hbm>>) dst(%arg5 : memref<40x128xi32, #tpu.memory_space<vmem>>)
      tpu.yield
    }) : () -> ()
    %mul3A_66 = arith.constant 80 : i32
    %mul3A_67 = arith.muli %arg1, %mul3A_66 : i32
    %add3A_68 = arith.constant 40 : i32
    %add3A_69 = arith.addi %mul3A_67, %add3A_68 : i32
    %run_scoped3A_70 = arith.constant 1 : i32
    "tpu.region"() ({
      %run_scoped3A_101 = tpu.sem_alloc : memref<!tpu.dma_semaphore, #tpu.memory_space<semaphore_mem>>
      %dma_start3A_102 = arith.constant 0 : i32
      %dma_start3A_103 = tpu.memref_slice %arg3[%run_scoped3A_70, %add3A_69, %dma_start3A_102] : memref<2x1280x128xi32, #tpu.memory_space<hbm>> -> memref<1x40x128xi32, #tpu.memory_space<hbm>>
      %dma_start3A_104 = tpu.memref_squeeze %dma_start3A_103 : memref<1x40x128xi32, #tpu.memory_space<hbm>> -> memref<40x128xi32, #tpu.memory_space<hbm>>
      %dma_start3A_105 = arith.constant 0 : i32
      %dma_start3A_106 = tpu.memref_slice %arg3[%run_scoped3A_70, %add3A_69, %dma_start3A_105] : memref<2x1280x128xi32, #tpu.memory_space<hbm>> -> memref<1x40x128xi32, #tpu.memory_space<hbm>>
      %dma_start3A_107 = tpu.memref_squeeze %dma_start3A_106 : memref<1x40x128xi32, #tpu.memory_space<hbm>> -> memref<40x128xi32, #tpu.memory_space<hbm>>
      tpu.enqueue_dma source(%dma_start3A_107 : memref<40x128xi32, #tpu.memory_space<hbm>>) target(%arg6 : memref<40x128xi32, #tpu.memory_space<vmem>>) target_semaphore(%run_scoped3A_101 : memref<!tpu.dma_semaphore, #tpu.memory_space<semaphore_mem>>)
      %dma_wait3A = arith.constant 0 : i32
      %dma_wait3A_108 = tpu.memref_slice %arg3[%run_scoped3A_70, %add3A_69, %dma_wait3A] : memref<2x1280x128xi32, #tpu.memory_space<hbm>> -> memref<1x40x128xi32, #tpu.memory_space<hbm>>
      %dma_wait3A_109 = tpu.memref_squeeze %dma_wait3A_108 : memref<1x40x128xi32, #tpu.memory_space<hbm>> -> memref<40x128xi32, #tpu.memory_space<hbm>>
      %dma_wait3A_110 = arith.constant 0 : i32
      %dma_wait3A_111 = tpu.memref_slice %arg3[%run_scoped3A_70, %add3A_69, %dma_wait3A_110] : memref<2x1280x128xi32, #tpu.memory_space<hbm>> -> memref<1x40x128xi32, #tpu.memory_space<hbm>>
      %dma_wait3A_112 = tpu.memref_squeeze %dma_wait3A_111 : memref<1x40x128xi32, #tpu.memory_space<hbm>> -> memref<40x128xi32, #tpu.memory_space<hbm>>
      tpu.wait_dma2 semaphore(%run_scoped3A_101 : memref<!tpu.dma_semaphore, #tpu.memory_space<semaphore_mem>>) src(%dma_wait3A_112 : memref<40x128xi32, #tpu.memory_space<hbm>>) dst(%arg6 : memref<40x128xi32, #tpu.memory_space<vmem>>)
      tpu.yield
    }) : () -> ()
    %dma_start3A_71 = arith.constant 0 : i32
    %dma_start3A_72 = arith.constant 0 : i32
    %dma_start3A_73 = arith.constant 0 : i32
    %dma_start3A_74 = arith.constant 0 : i32
    %dma_start3A_75 = arith.constant 0 : i32
    %dma_start3A_76 = tpu.memref_slice %arg7[%dma_start3A_72, %dma_start3A_74, %dma_start3A_75] : memref<2x128x128xf32, #tpu.memory_space<vmem>> -> memref<1x128x128xf32, #tpu.memory_space<vmem>>
    %dma_start3A_77 = tpu.memref_squeeze %dma_start3A_76 : memref<1x128x128xf32, #tpu.memory_space<vmem>> -> memref<128x128xf32, #tpu.memory_space<vmem>>
    %dma_start3A_78 = arith.constant 0 : i32
    %dma_start3A_79 = tpu.memref_slice %arg5[%dma_start3A_71, %dma_start3A_78] : memref<40x128xi32, #tpu.memory_space<vmem>> -> memref<1x128xi32, #tpu.memory_space<vmem>>
    %dma_start3A_80 = tpu.memref_squeeze %dma_start3A_79 : memref<1x128xi32, #tpu.memory_space<vmem>> -> memref<128xi32, #tpu.memory_space<vmem>>
    %dma_start3A_81 = arith.constant 0 : i32
    %dma_start3A_82 = arith.constant 0 : i32
    %dma_start3A_83 = tpu.memref_slice %arg2[%arg0, %dma_start3A_81, %dma_start3A_82] : memref<2x10240x128xf32, #tpu.memory_space<hbm>> -> memref<1x10240x128xf32, #tpu.memory_space<hbm>>
    %dma_start3A_84 = tpu.memref_squeeze %dma_start3A_83 : memref<1x10240x128xf32, #tpu.memory_space<hbm>> -> memref<10240x128xf32, #tpu.memory_space<hbm>>
    %dma_start3A_85 = arith.constant 0 : i32
    %dma_start3A_86 = arith.constant 0 : i32
    %dma_start3A_87 = tpu.memref_slice %dma_start3A_84[%dma_start3A_85, %dma_start3A_86] : memref<10240x128xf32, #tpu.memory_space<hbm>> -> memref<10240x128xf32, #tpu.memory_space<hbm>>
    %dma_start3A_88 = tpu.memref_slice %arg9[%dma_start3A_73] : memref<2x!tpu.dma_semaphore, #tpu.memory_space<semaphore_mem>> -> memref<1x!tpu.dma_semaphore, #tpu.memory_space<semaphore_mem>>
    %dma_start3A_89 = tpu.memref_squeeze %dma_start3A_88 : memref<1x!tpu.dma_semaphore, #tpu.memory_space<semaphore_mem>> -> memref<!tpu.dma_semaphore, #tpu.memory_space<semaphore_mem>>
    tpu.enqueue_indirect_dma source(%dma_start3A_87 : memref<10240x128xf32, #tpu.memory_space<hbm>>) target(%dma_start3A_77 : memref<128x128xf32, #tpu.memory_space<vmem>>) offsets(%dma_start3A_80 : memref<128xi32, #tpu.memory_space<vmem>>) semaphore(%dma_start3A_89 : memref<!tpu.dma_semaphore, #tpu.memory_space<semaphore_mem>>)
    %scan3A_90 = arith.constant 40 : i32
    %scan3A_91 = arith.constant 0 : i32
    %scan3A_92 = arith.constant 40 : i32
    %scan3A_93 = arith.addi %scan3A_91, %scan3A_92 : i32
    %scan3A_94 = arith.constant 1 : i32
    scf.for %scan3A_101 = %scan3A_91 to %scan3A_93 step %scan3A_94  : i32 {
      %rem3A = arith.constant 2 : i32
      %rem3A_102 = arith.remsi %scan3A_101, %rem3A : i32
      %add3A_103 = arith.constant 1 : i32
      %add3A_104 = arith.addi %scan3A_101, %add3A_103 : i32
      %rem3A_105 = arith.constant 2 : i32
      %rem3A_106 = arith.remsi %add3A_104, %rem3A_105 : i32
      %add3A_107 = arith.constant 1 : i32
      %add3A_108 = arith.addi %scan3A_101, %add3A_107 : i32
      %lt3A = arith.cmpi slt, %add3A_108, %scan3A_90 : i32
      %convert_element_type3A = arith.extui %lt3A : i1 to i32
      %cond3A = arith.constant 0 : i32
      %cond3A_109 = arith.cmpi ne, %convert_element_type3A, %cond3A : i32
      scf.if %cond3A_109 {
        %add3A_126 = arith.constant 1 : i32
        %add3A_127 = arith.addi %scan3A_101, %add3A_126 : i32
        %dma_start3A_128 = arith.constant 0 : i32
        %dma_start3A_129 = arith.constant 0 : i32
        %dma_start3A_130 = tpu.memref_slice %arg7[%rem3A_106, %dma_start3A_128, %dma_start3A_129] : memref<2x128x128xf32, #tpu.memory_space<vmem>> -> memref<1x128x128xf32, #tpu.memory_space<vmem>>
        %dma_start3A_131 = tpu.memref_squeeze %dma_start3A_130 : memref<1x128x128xf32, #tpu.memory_space<vmem>> -> memref<128x128xf32, #tpu.memory_space<vmem>>
        %dma_start3A_132 = arith.constant 0 : i32
        %dma_start3A_133 = tpu.memref_slice %arg5[%add3A_127, %dma_start3A_132] : memref<40x128xi32, #tpu.memory_space<vmem>> -> memref<1x128xi32, #tpu.memory_space<vmem>>
        %dma_start3A_134 = tpu.memref_squeeze %dma_start3A_133 : memref<1x128xi32, #tpu.memory_space<vmem>> -> memref<128xi32, #tpu.memory_space<vmem>>
        %dma_start3A_135 = arith.constant 0 : i32
        %dma_start3A_136 = arith.constant 0 : i32
        %dma_start3A_137 = tpu.memref_slice %arg2[%arg0, %dma_start3A_135, %dma_start3A_136] : memref<2x10240x128xf32, #tpu.memory_space<hbm>> -> memref<1x10240x128xf32, #tpu.memory_space<hbm>>
        %dma_start3A_138 = tpu.memref_squeeze %dma_start3A_137 : memref<1x10240x128xf32, #tpu.memory_space<hbm>> -> memref<10240x128xf32, #tpu.memory_space<hbm>>
        %dma_start3A_139 = arith.constant 0 : i32
        %dma_start3A_140 = arith.constant 0 : i32
        %dma_start3A_141 = tpu.memref_slice %dma_start3A_138[%dma_start3A_139, %dma_start3A_140] : memref<10240x128xf32, #tpu.memory_space<hbm>> -> memref<10240x128xf32, #tpu.memory_space<hbm>>
        %dma_start3A_142 = tpu.memref_slice %arg9[%rem3A_106] : memref<2x!tpu.dma_semaphore, #tpu.memory_space<semaphore_mem>> -> memref<1x!tpu.dma_semaphore, #tpu.memory_space<semaphore_mem>>
        %dma_start3A_143 = tpu.memref_squeeze %dma_start3A_142 : memref<1x!tpu.dma_semaphore, #tpu.memory_space<semaphore_mem>> -> memref<!tpu.dma_semaphore, #tpu.memory_space<semaphore_mem>>
        tpu.enqueue_indirect_dma source(%dma_start3A_141 : memref<10240x128xf32, #tpu.memory_space<hbm>>) target(%dma_start3A_131 : memref<128x128xf32, #tpu.memory_space<vmem>>) offsets(%dma_start3A_134 : memref<128xi32, #tpu.memory_space<vmem>>) semaphore(%dma_start3A_143 : memref<!tpu.dma_semaphore, #tpu.memory_space<semaphore_mem>>)
      } else {
      }
      %dma_wait3A = arith.constant 0 : i32
      %dma_wait3A_110 = arith.constant 0 : i32
      %dma_wait3A_111 = arith.constant 0 : i32
      %dma_wait3A_112 = tpu.memref_slice %arg7[%rem3A_102, %dma_wait3A_110, %dma_wait3A_111] : memref<2x128x128xf32, #tpu.memory_space<vmem>> -> memref<1x128x128xf32, #tpu.memory_space<vmem>>
      %dma_wait3A_113 = tpu.memref_squeeze %dma_wait3A_112 : memref<1x128x128xf32, #tpu.memory_space<vmem>> -> memref<128x128xf32, #tpu.memory_space<vmem>>
      %dma_wait3A_114 = arith.constant 0 : i32
      %dma_wait3A_115 = tpu.memref_slice %arg5[%dma_wait3A, %dma_wait3A_114] : memref<40x128xi32, #tpu.memory_space<vmem>> -> memref<1x128xi32, #tpu.memory_space<vmem>>
      %dma_wait3A_116 = tpu.memref_squeeze %dma_wait3A_115 : memref<1x128xi32, #tpu.memory_space<vmem>> -> memref<128xi32, #tpu.memory_space<vmem>>
      %dma_wait3A_117 = arith.constant 0 : i32
      %dma_wait3A_118 = arith.constant 0 : i32
      %dma_wait3A_119 = tpu.memref_slice %arg2[%arg0, %dma_wait3A_117, %dma_wait3A_118] : memref<2x10240x128xf32, #tpu.memory_space<hbm>> -> memref<1x10240x128xf32, #tpu.memory_space<hbm>>
      %dma_wait3A_120 = tpu.memref_squeeze %dma_wait3A_119 : memref<1x10240x128xf32, #tpu.memory_space<hbm>> -> memref<10240x128xf32, #tpu.memory_space<hbm>>
      %dma_wait3A_121 = arith.constant 0 : i32
      %dma_wait3A_122 = arith.constant 0 : i32
      %dma_wait3A_123 = tpu.memref_slice %dma_wait3A_120[%dma_wait3A_121, %dma_wait3A_122] : memref<10240x128xf32, #tpu.memory_space<hbm>> -> memref<10240x128xf32, #tpu.memory_space<hbm>>
      %dma_wait3A_124 = tpu.memref_slice %arg9[%rem3A_102] : memref<2x!tpu.dma_semaphore, #tpu.memory_space<semaphore_mem>> -> memref<1x!tpu.dma_semaphore, #tpu.memory_space<semaphore_mem>>
      %dma_wait3A_125 = tpu.memref_squeeze %dma_wait3A_124 : memref<1x!tpu.dma_semaphore, #tpu.memory_space<semaphore_mem>> -> memref<!tpu.dma_semaphore, #tpu.memory_space<semaphore_mem>>
      tpu.wait_indirect_dma semaphore(%dma_wait3A_125 : memref<!tpu.dma_semaphore, #tpu.memory_space<semaphore_mem>>) src(%dma_wait3A_123 : memref<10240x128xf32, #tpu.memory_space<hbm>>) dst(%dma_wait3A_113 : memref<128x128xf32, #tpu.memory_space<vmem>>)
      "tpu.region"() ({
        %run_scoped3A_126 = tpu.sem_alloc : memref<!tpu.dma_semaphore, #tpu.memory_space<semaphore_mem>>
        %dma_start3A_127 = arith.constant 0 : i32
        %dma_start3A_128 = arith.constant 0 : i32
        %dma_start3A_129 = tpu.memref_slice %arg7[%rem3A_102, %dma_start3A_127, %dma_start3A_128] : memref<2x128x128xf32, #tpu.memory_space<vmem>> -> memref<1x128x128xf32, #tpu.memory_space<vmem>>
        %dma_start3A_130 = tpu.memref_squeeze %dma_start3A_129 : memref<1x128x128xf32, #tpu.memory_space<vmem>> -> memref<128x128xf32, #tpu.memory_space<vmem>>
        %dma_start3A_131 = arith.constant 0 : i32
        %dma_start3A_132 = tpu.memref_slice %arg6[%scan3A_101, %dma_start3A_131] : memref<40x128xi32, #tpu.memory_space<vmem>> -> memref<1x128xi32, #tpu.memory_space<vmem>>
        %dma_start3A_133 = tpu.memref_squeeze %dma_start3A_132 : memref<1x128xi32, #tpu.memory_space<vmem>> -> memref<128xi32, #tpu.memory_space<vmem>>
        %dma_start3A_134 = arith.constant 0 : i32
        %dma_start3A_135 = arith.constant 0 : i32
        %dma_start3A_136 = tpu.memref_slice %arg8[%dma_start3A_134, %dma_start3A_135] : memref<10240x128xf32, #tpu.memory_space<vmem_shared>> -> memref<10240x128xf32, #tpu.memory_space<vmem_shared>>
        tpu.enqueue_indirect_dma source(%dma_start3A_130 : memref<128x128xf32, #tpu.memory_space<vmem>>) target(%dma_start3A_136 : memref<10240x128xf32, #tpu.memory_space<vmem_shared>>) offsets(%dma_start3A_133 : memref<128xi32, #tpu.memory_space<vmem>>) semaphore(%run_scoped3A_126 : memref<!tpu.dma_semaphore, #tpu.memory_space<semaphore_mem>>) {add = true}
        %dma_wait3A_137 = arith.constant 0 : i32
        %dma_wait3A_138 = arith.constant 0 : i32
        %dma_wait3A_139 = tpu.memref_slice %arg7[%rem3A_102, %dma_wait3A_137, %dma_wait3A_138] : memref<2x128x128xf32, #tpu.memory_space<vmem>> -> memref<1x128x128xf32, #tpu.memory_space<vmem>>
        %dma_wait3A_140 = tpu.memref_squeeze %dma_wait3A_139 : memref<1x128x128xf32, #tpu.memory_space<vmem>> -> memref<128x128xf32, #tpu.memory_space<vmem>>
        %dma_wait3A_141 = arith.constant 0 : i32
        %dma_wait3A_142 = tpu.memref_slice %arg6[%scan3A_101, %dma_wait3A_141] : memref<40x128xi32, #tpu.memory_space<vmem>> -> memref<1x128xi32, #tpu.memory_space<vmem>>
        %dma_wait3A_143 = tpu.memref_squeeze %dma_wait3A_142 : memref<1x128xi32, #tpu.memory_space<vmem>> -> memref<128xi32, #tpu.memory_space<vmem>>
        %dma_wait3A_144 = arith.constant 0 : i32
        %dma_wait3A_145 = arith.constant 0 : i32
        %dma_wait3A_146 = tpu.memref_slice %arg8[%dma_wait3A_144, %dma_wait3A_145] : memref<10240x128xf32, #tpu.memory_space<vmem_shared>> -> memref<10240x128xf32, #tpu.memory_space<vmem_shared>>
        tpu.wait_indirect_dma semaphore(%run_scoped3A_126 : memref<!tpu.dma_semaphore, #tpu.memory_space<semaphore_mem>>) src(%dma_wait3A_140 : memref<128x128xf32, #tpu.memory_space<vmem>>) dst(%dma_wait3A_146 : memref<10240x128xf32, #tpu.memory_space<vmem_shared>>)
        tpu.yield
      }) : () -> ()
    }
    %scan3A_95 = arith.constant 40 : i32
    %barrier3A_96 = arith.constant 0 : index
    tpu.barrier barrier_id(%barrier3A_96)
    %mul3A_97 = arith.constant 640 : i32
    %mul3A_98 = arith.muli %arg1, %mul3A_97 : i32
    %mul3A_99 = arith.constant 640 : i32
    %mul3A_100 = arith.muli %arg1, %mul3A_99 : i32
    "tpu.region"() ({
      %run_scoped3A_101 = tpu.sem_alloc : memref<!tpu.dma_semaphore, #tpu.memory_space<semaphore_mem>>
      %dma_start3A_102 = arith.constant 0 : i32
      %dma_start3A_103 = tpu.memref_slice %arg4[%arg0, %mul3A_100, %dma_start3A_102] : memref<2x10240x128xf32, #tpu.memory_space<hbm>> -> memref<1x640x128xf32, #tpu.memory_space<hbm>>
      %dma_start3A_104 = tpu.memref_squeeze %dma_start3A_103 : memref<1x640x128xf32, #tpu.memory_space<hbm>> -> memref<640x128xf32, #tpu.memory_space<hbm>>
      %dma_start3A_105 = arith.constant 0 : i32
      %dma_start3A_106 = tpu.memref_slice %arg8[%mul3A_98, %dma_start3A_105] : memref<10240x128xf32, #tpu.memory_space<vmem_shared>> -> memref<640x128xf32, #tpu.memory_space<vmem_shared>>
      tpu.enqueue_dma source(%dma_start3A_106 : memref<640x128xf32, #tpu.memory_space<vmem_shared>>) target(%dma_start3A_104 : memref<640x128xf32, #tpu.memory_space<hbm>>) target_semaphore(%run_scoped3A_101 : memref<!tpu.dma_semaphore, #tpu.memory_space<semaphore_mem>>)
      %dma_wait3A = arith.constant 0 : i32
      %dma_wait3A_107 = tpu.memref_slice %arg4[%arg0, %mul3A_100, %dma_wait3A] : memref<2x10240x128xf32, #tpu.memory_space<hbm>> -> memref<1x640x128xf32, #tpu.memory_space<hbm>>
      %dma_wait3A_108 = tpu.memref_squeeze %dma_wait3A_107 : memref<1x640x128xf32, #tpu.memory_space<hbm>> -> memref<640x128xf32, #tpu.memory_space<hbm>>
      %dma_wait3A_109 = arith.constant 0 : i32
      %dma_wait3A_110 = tpu.memref_slice %arg8[%mul3A_98, %dma_wait3A_109] : memref<10240x128xf32, #tpu.memory_space<vmem_shared>> -> memref<640x128xf32, #tpu.memory_space<vmem_shared>>
      tpu.wait_dma2 semaphore(%run_scoped3A_101 : memref<!tpu.dma_semaphore, #tpu.memory_space<semaphore_mem>>) src(%dma_wait3A_110 : memref<640x128xf32, #tpu.memory_space<vmem_shared>>) dst(%dma_wait3A_108 : memref<640x128xf32, #tpu.memory_space<hbm>>)
      tpu.yield
    }) : () -> ()
    return
  }
}

module attributes {stable_mosaic.version = 14 : i64} {
  func.func @_xws_body(%arg0: i32, %arg1: memref<5120x256xf32, #tpu.memory_space<vmem>>, %arg2: memref<256x256xf32, #tpu.memory_space<vmem>>, %arg3: memref<2x5120xf32, #tpu.memory_space<vmem>>, %arg4: memref<2x5120x128xf32, #tpu.memory_space<vmem>>, %arg5: memref<5120x1xf32, #tpu.memory_space<vmem>>) attributes {dimension_semantics = [#tpu.dimension_semantics<arbitrary>], iteration_bounds = array<i64: 2>, scalar_prefetch = 0 : i64, scratch_operands = 0 : i64, tpu.core_type = #tpu.core_type<tc>, window_params = [{transform_indices = @transform_0, window_bounds = array<i64: 5120, 256>}, {pipeline_mode = #tpu.pipeline_mode<synchronous>, transform_indices = @transform_1, window_bounds = array<i64: 256, 256>}, {transform_indices = @transform_2, window_bounds = array<i64: 2, 5120>}, {transform_indices = @transform_3, window_bounds = array<i64: 2, 5120, 128>}, {transform_indices = @transform_4, window_bounds = array<i64: 5120, 1>}]} {
    %get3A = arith.constant 0 : index
    %get3A_0 = arith.constant 0 : index
    %get3A_1 = vector.load %arg1[%get3A, %get3A_0] : memref<5120x256xf32, #tpu.memory_space<vmem>>, vector<5120x256xf32>
    %convert_element_type3A = arith.truncf %get3A_1 : vector<5120x256xf32> to vector<5120x256xbf16>
    %get3A_2 = arith.constant 0 : index
    %get3A_3 = arith.constant 0 : index
    %get3A_4 = vector.load %arg2[%get3A_2, %get3A_3] : memref<256x256xf32, #tpu.memory_space<vmem>>, vector<256x256xf32>
    %convert_element_type3A_5 = arith.truncf %get3A_4 : vector<256x256xf32> to vector<256x256xbf16>
    %dot_general3A = arith.constant dense<0.000000e+00> : vector<5120x256xf32>
    %dot_general3A_6 = tpu.matmul %convert_element_type3A, %convert_element_type3A_5, %dot_general3A {dimension_numbers = #tpu.dot_dimension_numbers<[1], [0], [0], [1], [0, 0, 1, 1], [], []>, transpose_lhs_hint = false} : vector<5120x256xbf16>, vector<256x256xbf16>, vector<5120x256xf32> -> vector<5120x256xf32>
    %get3A_7 = arith.constant 0 : index
    %get3A_8 = arith.constant 0 : index
    %get3A_9 = vector.load %arg3[%get3A_7, %get3A_8] : memref<2x5120xf32, #tpu.memory_space<vmem>>, vector<2x5120xf32>
    %transpose3A = tpu.transpose %get3A_9, [1, 0] : vector<2x5120xf32> -> vector<5120x2xf32>
    %slice3A = vector.extract_strided_slice %transpose3A {offsets = [0, 0], sizes = [5120, 1], strides = [1, 1]} : vector<5120x2xf32> to vector<5120x1xf32>
    %slice3A_10 = vector.extract_strided_slice %transpose3A {offsets = [0, 1], sizes = [5120, 1], strides = [1, 1]} : vector<5120x2xf32> to vector<5120x1xf32>
    %add3A = arith.addf %slice3A, %slice3A_10 : vector<5120x1xf32>
    %add3A_11 = arith.constant 1.000000e+00 : f32
    %add3A_12 = vector.broadcast %add3A_11 : f32 to vector<5120x1xf32>
    %add3A_13 = arith.addf %add3A, %add3A_12 : vector<5120x1xf32>
    %rsqrt3A = math.rsqrt %add3A_13 : vector<5120x1xf32>
    %swap3A = arith.constant 0 : index
    %swap3A_14 = arith.constant 0 : index
    %swap3A_15 = vector.load %arg5[%swap3A, %swap3A_14] : memref<5120x1xf32, #tpu.memory_space<vmem>>, vector<5120x1xf32>
    tpu.vector_store %arg5[%swap3A, %swap3A_14], %rsqrt3A {strides = array<i32>} : memref<5120x1xf32, #tpu.memory_space<vmem>>, vector<5120x1xf32>,
    %slice3A_16 = vector.extract_strided_slice %dot_general3A_6 {offsets = [0, 0], sizes = [5120, 128], strides = [1, 1]} : vector<5120x256xf32> to vector<5120x128xf32>
    %mul3A = vector.broadcast %rsqrt3A : vector<5120x1xf32> to vector<5120x128xf32>
    %mul3A_17 = arith.mulf %slice3A_16, %mul3A : vector<5120x128xf32>
    %swap3A_18 = arith.constant 0 : index
    %swap3A_19 = arith.constant 0 : index
    %swap3A_20 = arith.constant 0 : index
    %swap3A_21 = vector.load %arg4[%swap3A_18, %swap3A_19, %swap3A_20] : memref<2x5120x128xf32, #tpu.memory_space<vmem>>, vector<1x5120x128xf32>
    %swap3A_22 = vector.shape_cast %swap3A_21 : vector<1x5120x128xf32> to vector<5120x128xf32>
    %swap3A_23 = vector.shape_cast %mul3A_17 : vector<5120x128xf32> to vector<1x5120x128xf32>
    tpu.vector_store %arg4[%swap3A_18, %swap3A_19, %swap3A_20], %swap3A_23 {strides = array<i32>} : memref<2x5120x128xf32, #tpu.memory_space<vmem>>, vector<1x5120x128xf32>,
    %slice3A_24 = vector.extract_strided_slice %dot_general3A_6 {offsets = [0, 128], sizes = [5120, 128], strides = [1, 1]} : vector<5120x256xf32> to vector<5120x128xf32>
    %mul3A_25 = vector.broadcast %rsqrt3A : vector<5120x1xf32> to vector<5120x128xf32>
    %mul3A_26 = arith.mulf %slice3A_24, %mul3A_25 : vector<5120x128xf32>
    %swap3A_27 = arith.constant 1 : index
    %swap3A_28 = arith.constant 0 : index
    %swap3A_29 = arith.constant 0 : index
    %swap3A_30 = vector.load %arg4[%swap3A_27, %swap3A_28, %swap3A_29] : memref<2x5120x128xf32, #tpu.memory_space<vmem>>, vector<1x5120x128xf32>
    %swap3A_31 = vector.shape_cast %swap3A_30 : vector<1x5120x128xf32> to vector<5120x128xf32>
    %swap3A_32 = vector.shape_cast %mul3A_26 : vector<5120x128xf32> to vector<1x5120x128xf32>
    tpu.vector_store %arg4[%swap3A_27, %swap3A_28, %swap3A_29], %swap3A_32 {strides = array<i32>} : memref<2x5120x128xf32, #tpu.memory_space<vmem>>, vector<1x5120x128xf32>,
    return
  }
  func.func @transform_0(%arg0: i32) -> (i32, i32) {
    %c0_i32 = arith.constant 0 : i32
    %c0_i32_0 = arith.constant 0 : i32
    return %arg0, %c0_i32 : i32, i32
  }
  func.func @transform_1(%arg0: i32) -> (i32, i32) {
    %c0_i32 = arith.constant 0 : i32
    %c0_i32_0 = arith.constant 0 : i32
    %c0_i32_1 = arith.constant 0 : i32
    return %c0_i32, %c0_i32_0 : i32, i32
  }
  func.func @transform_2(%arg0: i32) -> (i32, i32) {
    %c0_i32 = arith.constant 0 : i32
    %c0_i32_0 = arith.constant 0 : i32
    return %c0_i32, %arg0 : i32, i32
  }
  func.func @transform_3(%arg0: i32) -> (i32, i32, i32) {
    %c0_i32 = arith.constant 0 : i32
    %c0_i32_0 = arith.constant 0 : i32
    %c0_i32_1 = arith.constant 0 : i32
    return %c0_i32, %arg0, %c0_i32_0 : i32, i32, i32
  }
  func.func @transform_4(%arg0: i32) -> (i32, i32) {
    %c0_i32 = arith.constant 0 : i32
    %c0_i32_0 = arith.constant 0 : i32
    return %arg0, %c0_i32 : i32, i32
  }
}

module attributes {stable_mosaic.version = 14 : i64} {
  func.func @_epi_body(%arg0: i32, %arg1: memref<2x5120x128xf32, #tpu.memory_space<vmem>>, %arg2: memref<2x5120x128xf32, #tpu.memory_space<vmem>>, %arg3: memref<5120x1xf32, #tpu.memory_space<vmem>>, %arg4: memref<1x5120xf32, #tpu.memory_space<vmem>>, %arg5: memref<1x256xf32, #tpu.memory_space<vmem>>, %arg6: memref<256x64xf32, #tpu.memory_space<vmem>>, %arg7: memref<1x64xf32, #tpu.memory_space<vmem>>, %arg8: memref<64x2xf32, #tpu.memory_space<vmem>>, %arg9: memref<1x2xf32, #tpu.memory_space<vmem>>, %arg10: memref<2x5120xf32, #tpu.memory_space<vmem>>) attributes {dimension_semantics = [#tpu.dimension_semantics<arbitrary>], iteration_bounds = array<i64: 2>, scalar_prefetch = 0 : i64, scratch_operands = 0 : i64, tpu.core_type = #tpu.core_type<tc>, window_params = [{transform_indices = @transform_0, window_bounds = array<i64: 2, 5120, 128>}, {transform_indices = @transform_1, window_bounds = array<i64: 2, 5120, 128>}, {transform_indices = @transform_2, window_bounds = array<i64: 5120, 1>}, {transform_indices = @transform_3, window_bounds = array<i64: 1, 5120>}, {pipeline_mode = #tpu.pipeline_mode<synchronous>, transform_indices = @transform_4, window_bounds = array<i64: 1, 256>}, {pipeline_mode = #tpu.pipeline_mode<synchronous>, transform_indices = @transform_5, window_bounds = array<i64: 256, 64>}, {pipeline_mode = #tpu.pipeline_mode<synchronous>, transform_indices = @transform_6, window_bounds = array<i64: 1, 64>}, {pipeline_mode = #tpu.pipeline_mode<synchronous>, transform_indices = @transform_7, window_bounds = array<i64: 64, 2>}, {pipeline_mode = #tpu.pipeline_mode<synchronous>, transform_indices = @transform_8, window_bounds = array<i64: 1, 2>}, {transform_indices = @transform_9, window_bounds = array<i64: 2, 5120>}]} {
    %get3A = arith.constant 0 : index
    %get3A_0 = arith.constant 0 : index
    %get3A_1 = vector.load %arg3[%get3A, %get3A_0] : memref<5120x1xf32, #tpu.memory_space<vmem>>, vector<5120x1xf32>
    %get3A_2 = arith.constant 0 : index
    %get3A_3 = arith.constant 0 : index
    %get3A_4 = arith.constant 0 : index
    %get3A_5 = vector.load %arg1[%get3A_2, %get3A_3, %get3A_4] : memref<2x5120x128xf32, #tpu.memory_space<vmem>>, vector<1x5120x128xf32>
    %get3A_6 = vector.shape_cast %get3A_5 : vector<1x5120x128xf32> to vector<5120x128xf32>
    %get3A_7 = arith.constant 0 : index
    %get3A_8 = arith.constant 0 : index
    %get3A_9 = arith.constant 0 : index
    %get3A_10 = vector.load %arg2[%get3A_7, %get3A_8, %get3A_9] : memref<2x5120x128xf32, #tpu.memory_space<vmem>>, vector<1x5120x128xf32>
    %get3A_11 = vector.shape_cast %get3A_10 : vector<1x5120x128xf32> to vector<5120x128xf32>
    %add3A = arith.addf %get3A_6, %get3A_11 : vector<5120x128xf32>
    %mul3A = vector.broadcast %get3A_1 : vector<5120x1xf32> to vector<5120x128xf32>
    %mul3A_12 = arith.mulf %add3A, %mul3A : vector<5120x128xf32>
    %get3A_13 = arith.constant 1 : index
    %get3A_14 = arith.constant 0 : index
    %get3A_15 = arith.constant 0 : index
    %get3A_16 = vector.load %arg1[%get3A_13, %get3A_14, %get3A_15] : memref<2x5120x128xf32, #tpu.memory_space<vmem>>, vector<1x5120x128xf32>
    %get3A_17 = vector.shape_cast %get3A_16 : vector<1x5120x128xf32> to vector<5120x128xf32>
    %get3A_18 = arith.constant 1 : index
    %get3A_19 = arith.constant 0 : index
    %get3A_20 = arith.constant 0 : index
    %get3A_21 = vector.load %arg2[%get3A_18, %get3A_19, %get3A_20] : memref<2x5120x128xf32, #tpu.memory_space<vmem>>, vector<1x5120x128xf32>
    %get3A_22 = vector.shape_cast %get3A_21 : vector<1x5120x128xf32> to vector<5120x128xf32>
    %add3A_23 = arith.addf %get3A_17, %get3A_22 : vector<5120x128xf32>
    %mul3A_24 = vector.broadcast %get3A_1 : vector<5120x1xf32> to vector<5120x128xf32>
    %mul3A_25 = arith.mulf %add3A_23, %mul3A_24 : vector<5120x128xf32>
    %concatenate3A = tpu.concatenate %mul3A_12, %mul3A_25 in 1 : vector<5120x128xf32>, vector<5120x128xf32> -> vector<5120x256xf32>
    %get3A_26 = arith.constant 0 : index
    %get3A_27 = arith.constant 0 : index
    %get3A_28 = vector.load %arg5[%get3A_26, %get3A_27] : memref<1x256xf32, #tpu.memory_space<vmem>>, vector<1x256xf32>
    %add3A_29 = vector.broadcast %get3A_28 : vector<1x256xf32> to vector<5120x256xf32>
    %add3A_30 = arith.addf %concatenate3A, %add3A_29 : vector<5120x256xf32>
    %max3A = arith.constant 0.000000e+00 : f32
    %max3A_31 = vector.broadcast %max3A : f32 to vector<5120x256xf32>
    %max3A_32 = arith.maximumf %add3A_30, %max3A_31 : vector<5120x256xf32>
    %get3A_33 = arith.constant 0 : index
    %get3A_34 = arith.constant 0 : index
    %get3A_35 = vector.load %arg4[%get3A_33, %get3A_34] : memref<1x5120xf32, #tpu.memory_space<vmem>>, vector<1x5120xf32>
    %transpose3A = tpu.transpose %get3A_35, [1, 0] : vector<1x5120xf32> -> vector<5120x1xf32>
    %sub3A = arith.constant 1.000000e+00 : f32
    %sub3A_36 = vector.broadcast %sub3A : f32 to vector<5120x1xf32>
    %sub3A_37 = arith.subf %sub3A_36, %transpose3A : vector<5120x1xf32>
    %mul3A_38 = vector.broadcast %sub3A_37 : vector<5120x1xf32> to vector<5120x256xf32>
    %mul3A_39 = arith.mulf %mul3A_38, %max3A_32 : vector<5120x256xf32>
    %get3A_40 = arith.constant 0 : index
    %get3A_41 = arith.constant 0 : index
    %get3A_42 = vector.load %arg6[%get3A_40, %get3A_41] : memref<256x64xf32, #tpu.memory_space<vmem>>, vector<256x64xf32>
    %dot_general3A = arith.constant dense<0.000000e+00> : vector<5120x64xf32>
    %dot_general3A_43 = tpu.matmul %mul3A_39, %get3A_42, %dot_general3A {dimension_numbers = #tpu.dot_dimension_numbers<[1], [0], [0], [1], [0, 0, 1, 1], [], []>, transpose_lhs_hint = false} : vector<5120x256xf32>, vector<256x64xf32>, vector<5120x64xf32> -> vector<5120x64xf32>
    %get3A_44 = arith.constant 0 : index
    %get3A_45 = arith.constant 0 : index
    %get3A_46 = vector.load %arg7[%get3A_44, %get3A_45] : memref<1x64xf32, #tpu.memory_space<vmem>>, vector<1x64xf32>
    %add3A_47 = vector.broadcast %get3A_46 : vector<1x64xf32> to vector<5120x64xf32>
    %add3A_48 = arith.addf %dot_general3A_43, %add3A_47 : vector<5120x64xf32>
    %max3A_49 = arith.constant 0.000000e+00 : f32
    %max3A_50 = vector.broadcast %max3A_49 : f32 to vector<5120x64xf32>
    %max3A_51 = arith.maximumf %add3A_48, %max3A_50 : vector<5120x64xf32>
    %get3A_52 = arith.constant 0 : index
    %get3A_53 = arith.constant 0 : index
    %get3A_54 = vector.load %arg8[%get3A_52, %get3A_53] : memref<64x2xf32, #tpu.memory_space<vmem>>, vector<64x2xf32>
    %dot_general3A_55 = arith.constant dense<0.000000e+00> : vector<5120x2xf32>
    %dot_general3A_56 = tpu.matmul %max3A_51, %get3A_54, %dot_general3A_55 {dimension_numbers = #tpu.dot_dimension_numbers<[1], [0], [0], [1], [0, 0, 1, 1], [], []>, transpose_lhs_hint = false} : vector<5120x64xf32>, vector<64x2xf32>, vector<5120x2xf32> -> vector<5120x2xf32>
    %get3A_57 = arith.constant 0 : index
    %get3A_58 = arith.constant 0 : index
    %get3A_59 = vector.load %arg9[%get3A_57, %get3A_58] : memref<1x2xf32, #tpu.memory_space<vmem>>, vector<1x2xf32>
    %add3A_60 = vector.broadcast %get3A_59 : vector<1x2xf32> to vector<5120x2xf32>
    %add3A_61 = arith.addf %dot_general3A_56, %add3A_60 : vector<5120x2xf32>
    %transpose3A_62 = tpu.transpose %add3A_61, [1, 0] : vector<5120x2xf32> -> vector<2x5120xf32>
    %swap3A = arith.constant 0 : index
    %swap3A_63 = arith.constant 0 : index
    %swap3A_64 = vector.load %arg10[%swap3A, %swap3A_63] : memref<2x5120xf32, #tpu.memory_space<vmem>>, vector<2x5120xf32>
    tpu.vector_store %arg10[%swap3A, %swap3A_63], %transpose3A_62 {strides = array<i32>} : memref<2x5120xf32, #tpu.memory_space<vmem>>, vector<2x5120xf32>,
    return
  }
  func.func @transform_0(%arg0: i32) -> (i32, i32, i32) {
    %c0_i32 = arith.constant 0 : i32
    %c0_i32_0 = arith.constant 0 : i32
    %c0_i32_1 = arith.constant 0 : i32
    return %c0_i32, %arg0, %c0_i32_0 : i32, i32, i32
  }
  func.func @transform_1(%arg0: i32) -> (i32, i32, i32) {
    %c0_i32 = arith.constant 0 : i32
    %c0_i32_0 = arith.constant 0 : i32
    %c0_i32_1 = arith.constant 0 : i32
    return %c0_i32, %arg0, %c0_i32_0 : i32, i32, i32
  }
  func.func @transform_2(%arg0: i32) -> (i32, i32) {
    %c0_i32 = arith.constant 0 : i32
    %c0_i32_0 = arith.constant 0 : i32
    return %arg0, %c0_i32 : i32, i32
  }
  func.func @transform_3(%arg0: i32) -> (i32, i32) {
    %c0_i32 = arith.constant 0 : i32
    %c0_i32_0 = arith.constant 0 : i32
    return %c0_i32, %arg0 : i32, i32
  }
  func.func @transform_4(%arg0: i32) -> (i32, i32) {
    %c0_i32 = arith.constant 0 : i32
    %c0_i32_0 = arith.constant 0 : i32
    %c0_i32_1 = arith.constant 0 : i32
    return %c0_i32, %c0_i32_0 : i32, i32
  }
  func.func @transform_5(%arg0: i32) -> (i32, i32) {
    %c0_i32 = arith.constant 0 : i32
    %c0_i32_0 = arith.constant 0 : i32
    %c0_i32_1 = arith.constant 0 : i32
    return %c0_i32, %c0_i32_0 : i32, i32
  }
  func.func @transform_6(%arg0: i32) -> (i32, i32) {
    %c0_i32 = arith.constant 0 : i32
    %c0_i32_0 = arith.constant 0 : i32
    %c0_i32_1 = arith.constant 0 : i32
    return %c0_i32, %c0_i32_0 : i32, i32
  }
  func.func @transform_7(%arg0: i32) -> (i32, i32) {
    %c0_i32 = arith.constant 0 : i32
    %c0_i32_0 = arith.constant 0 : i32
    %c0_i32_1 = arith.constant 0 : i32
    return %c0_i32, %c0_i32_0 : i32, i32
  }
  func.func @transform_8(%arg0: i32) -> (i32, i32) {
    %c0_i32 = arith.constant 0 : i32
    %c0_i32_0 = arith.constant 0 : i32
    %c0_i32_1 = arith.constant 0 : i32
    return %c0_i32, %c0_i32_0 : i32, i32
  }
  func.func @transform_9(%arg0: i32) -> (i32, i32) {
    %c0_i32 = arith.constant 0 : i32
    %c0_i32_0 = arith.constant 0 : i32
    return %c0_i32, %arg0 : i32, i32
  }
}

</mosaic_0001>

<sc_bundles>
// kernel: kernel.6.cloned.1.call-start
scs
__scs_entry_jumppad:
0x0: {  	(pc) =	sbr.rel $0x88, $3  }
0x1: {  	(tag) =	ssettag $0x0;
	lr =	simm.s32 $0x1  }
0x2: {  	[smem:$0x3F98] =	sst lr;
	_ =	strace $0xD0000000  }
0x3: {  	_ = 	snop  }
0x4: {  	_ = 	snop  }
0x5: {  	_ = 	snop  }
0x6: {  	_ = 	snop  }
0x7: {  	_ = 	snop  }
__scs_overlays_trampoline_lowered:
0x8: {  	[smem:$0x3FA7] =	sst s0  }
0x9: {  	[smem:$0x3FA8] =	sst s1  }
0xa: {  	[smem:$0x3FA9] =	sst s2  }
0xb: {  	[smem:$0x3FAA] =	sst s3  }
0xc: {  	[smem:$0x3FAB] =	sst s4  }
0xd: {  	[smem:$0x3FAC] =	sst s5  }
0xe: {  	[smem:$0x3FAD] =	sst s6  }
0xf: {  	[smem:$0x3FAE] =	sst s7  }
0x10: {  	[smem:$0x3FAF] =	sst s8  }
0x11: {  	[smem:$0x3FB0] =	sst s9;
	s0 =	simm.s32 @!p0 $0x0  }
0x12: {  	s1 =	sld [smem:$0x3F96];
	s0 =	simm.s32 @p0 $0x1  }
0x13: {  	[smem:$0x3FB1] =	sst s0;
	s0 =	simm.s32 @!p1 $0x0  }
0x14: {  	s2 =	sld [smem:$0x3F95];
	s0 =	simm.s32 @p1 $0x1  }
0x15: {  	[smem:$0x3FB2] =	sst s0;
	s0 =	simm.s32 @!p2 $0x0  }
0x16: {  	s3 =	sld [smem:$0x3FDB];
	s0 =	simm.s32 @p2 $0x1  }
0x17: {  	s4 =	simm.s32 $0x1BF5;
	[smem:$0x3FB4] =	sst s0  }
0x18: {  	s0 =	sld [smem:$0x3F97];
	_ =	swait.ge [sflag:s4], $0x0  }
0x19: {  	s7 =	sld [smem:$0x3F98]  }
0x1a: {  	s8 =	sadd.s32 $0xFFFFE003, lr  }
0x1b: {  	s9 =	sadd.s32 $0xFFFFFEF7, lr;
	s5 =	simm.s32 $0xFFFFFFFF;
	p2 =	slt.u32 s8, $0xFFFFF086  }
0x1c: {  	p1 =	slt.u32 s9, $0xF7A;
	s5 =	simm.s32 @!p2 $0x0  }
0x1d: {  	s5 =	simm.s32 @p1 $0x1;
	p0 =	seq.s32 s7, s2  }
0x1e: {  	s7 =	smul.u32 @!p0 $0xF7A, s2;
	p2 =	seq.s32 @!p0 s5, $0x0  }
0x1f: {  	s9 =	smul.u32 $0xF7A, s1;
	s8 =	simm.s32 @!p0 $0x1BF5;
	p2 =	por !p2, p0  }
0x20: {  	[sflag:s8] =	ssyncset.s32 @!p0 $0xFFFFF086;
	s6 =	sadd.s32 @!p0 s3, s7;
	s7 =	simm.s32 @!p0 $0x108  }
0x21: {  	s3 =	sadd.s32 s3, s9;
	s6 =	sadd.s32 @!p0 $0x88, s6;
	s7 =	simm.s32 @p2 $0x1082  }
0x22: {  	[simem:s7], [sflag:s8] =	dma.local @!p0 [hbm:s6], $0xF7A  }
0x23: {  	s9 =	sor.u32 $0xD0000000, s2;
	s6 =	simm.s32 $0x108;
	_ =	swait.ge @!p0 [sflag:s8], $0x0  }
0x24: {  	s3 =	sadd.s32 $0x88, s3;
	s6 =	simm.s32 @!p1 $0x1082;
	[sflag:s4] =	ssyncset.s32 $0xFFFFF086  }
0x25: {  	[simem:s6], [sflag:s4] =	dma.local [hbm:s3], $0xF7A  }
0x26: {  	[smem:$0x3F98] =	sst s1;
	(tag) =	ssettag s2;
	_ =	strace s9  }
0x27: {  	s1 =	sld [smem:$0x3FA8]  }
0x28: {  	s2 =	sld [smem:$0x3FA9]  }
0x29: {  	s4 =	sld [smem:$0x3FAB]  }
0x2a: {  	p0 =	seq.s32 s5, $0x0;
	s5 =	sld [smem:$0x3FAC]  }
0x2b: {  	s6 =	sld [smem:$0x3FAD]  }
0x2c: {  	s7 =	sld [smem:$0x3FAE]  }
0x2d: {  	s3 =	simm.s32 $0x108;
	s8 =	sld [smem:$0x3FAF]  }
0x2e: {  	s3 =	simm.s32 @!p0 $0x1082;
	s9 =	sld [smem:$0x3FB0]  }
0x2f: {  	lr =	sadd.s32 s0, s3;
	s0 =	sld [smem:$0x3FA7]  }
0x30: {  	s3 =	sld [smem:$0x3FAA]  }
0x31: {  	[smem:$0x3FB3] =	sst s10  }
0x32: {  	s10 =	sld [smem:$0x3FB1];
	_ =	sdelay $0x3  }
0x33: {  	p0 =	seq.s32 s10, $0x1;
	s10 =	sld [smem:$0x3FB3];
	_ =	sdelay $0x3  }
0x34: {  	[smem:$0x3FB3] =	sst s10  }
0x35: {  	s10 =	sld [smem:$0x3FB2];
	_ =	sdelay $0x3  }
0x36: {  	p1 =	seq.s32 s10, $0x1;
	s10 =	sld [smem:$0x3FB3];
	_ =	sdelay $0x3  }
0x37: {  	[smem:$0x3FB3] =	sst s10  }
0x38: {  	s10 =	sld [smem:$0x3FB4]  }
0x39: {  	_ = 	snop;
	(pc) =	sbr.ind lr, $3  }
0x3a: {  	_ = 	snop  }
0x3b: {  	_ = 	snop  }
0x3c: {  	p2 =	seq.s32 s10, $0x1;
	s10 =	sld [smem:$0x3FB3]  }
0x3d: {  	_ =	shalt  }
0x3e: {  	_ =	shalt  }
0x3f: {  	_ =	shalt  }
0x40: {  	_ =	shalt  }
0x41: {  	_ =	shalt  }
0x42: {  	_ =	shalt  }
0x43: {  	_ =	shalt  }
0x44: {  	_ =	shalt  }
0x45: {  	_ =	shalt  }
0x46: {  	_ =	shalt  }
0x47: {  	_ =	shalt  }
0x48: {  	_ =	shalt  }
0x49: {  	_ =	shalt  }
0x4a: {  	_ =	shalt  }
0x4b: {  	_ =	shalt  }
0x4c: {  	_ =	shalt  }
0x4d: {  	_ =	shalt  }
0x4e: {  	_ =	shalt  }
0x4f: {  	_ =	shalt  }
0x50: {  	_ =	shalt  }
0x51: {  	_ =	shalt  }
0x52: {  	_ =	shalt  }
0x53: {  	_ =	shalt  }
0x54: {  	_ =	shalt  }
0x55: {  	_ =	shalt  }
0x56: {  	_ =	shalt  }
0x57: {  	_ =	shalt  }
0x58: {  	_ =	shalt  }
0x59: {  	_ =	shalt  }
0x5a: {  	_ =	shalt  }
0x5b: {  	_ =	shalt  }
0x5c: {  	_ =	shalt  }
0x5d: {  	_ =	shalt  }
0x5e: {  	_ =	shalt  }
0x5f: {  	_ =	shalt  }
0x60: {  	_ =	shalt  }
0x61: {  	_ =	shalt  }
0x62: {  	_ =	shalt  }
0x63: {  	_ =	shalt  }
0x64: {  	_ =	shalt  }
0x65: {  	_ =	shalt  }
0x66: {  	_ =	shalt  }
0x67: {  	_ =	shalt  }
0x68: {  	_ =	shalt  }
0x69: {  	_ =	shalt  }
0x6a: {  	_ =	shalt  }
0x6b: {  	_ =	shalt  }
0x6c: {  	_ =	shalt  }
0x6d: {  	_ =	shalt  }
0x6e: {  	_ =	shalt  }
0x6f: {  	_ =	shalt  }
0x70: {  	_ =	shalt  }
0x71: {  	_ =	shalt  }
0x72: {  	_ =	shalt  }
0x73: {  	_ =	shalt  }
0x74: {  	_ =	shalt  }
0x75: {  	_ =	shalt  }
0x76: {  	_ =	shalt  }
0x77: {  	_ =	shalt  }
0x78: {  	_ =	shalt  }
0x79: {  	_ =	shalt  }
0x7a: {  	_ =	shalt  }
0x7b: {  	_ =	shalt  }
0x7c: {  	_ =	shalt  }
0x7d: {  	_ =	shalt  }
0x7e: {  	_ =	shalt  }
0x7f: {  	_ =	shalt  }
0x80: {  	_ =	shalt  }
0x81: {  	_ =	shalt  }
0x82: {  	_ =	shalt  }
0x83: {  	_ =	shalt  }
0x84: {  	_ =	shalt  }
0x85: {  	_ =	shalt  }
0x86: {  	_ =	shalt  }
0x87: {  	_ =	shalt  }
.Lfunc_end0:
.L_simem_size_0:
called_computation_lowered:
.L_overlay_start_0:
0x88: {  	s2 =	sld [smem:$0x3FD9]  }
0x89: {  	s3 =	sld [smem:$0x3FFE];
	_ =	sdelay $0x1  }
0x8a: {  	s1 =	srdreg.scid  }
0x8b: {  	s0 =	sand.u32 $0x1, s1  }
0x8c: {  	s16 =	sshll.u32 s0, $0xA;
	s2 =	sadd.s32 s3, s2  }
0x8d: {  	s2 =	sadd.s32 s2, s16  }
0x8e: {  	[smem:$0x3FBF] =	sst s2  }
0x8f: {  	_ = 	snop  }
0x90: {  	(tm) =	ssettm $0x1  }
0x91: {  	s17 =	sld [smem:$0x3FFB];
	_ =	sdelay $0x3  }
0x92: {  	_ =	strace s17  }
0x93: {  	s2 =	sld [smem:$0x3FFC];
	_ =	sdelay $0x3  }
0x94: {  	_ =	strace s2  }
0x95: {  	s2 =	sld [smem:$0x3FFD];
	_ =	sdelay $0x3  }
0x96: {  	_ =	strace s2  }
0x97: {  	_ =	strace $0x8FFFFFFF  }
0x98: {  	s18 =	sld [smem:$0x3FDB];
	_ =	sdelay $0x1  }
0x99: {  	s19 =	simm.s32 $_scs_section_size  }
0x9a: {  	s4 =	simm.s32 $_size__tile_overlayer_lowered;
	s5 =	simm.s32 $_tile_overlayer_lowered  }
0x9b: {  	s22 =	simm.s32 $0x1BFF;
	s21 =	sshll.u32 s5, $0x1;
	s2 =	sadd.s32 s19, s18  }
0x9c: {  	s6 =	simm.s32 $0x0;
	s20 =	sshll.u32 s4, $0x1;
	s4 =	sadd.s32 s21, s2  }
0x9d: {  	[timem:s6], [sflag:s22] =	dma.local [hbm:s4], s20  }
0x9e: {  	_ =	swait.ge [sflag:s22], s20  }
0x9f: {  	s3 =	ssub.s32 $0x0, s20;
	[sflag:s22] =	ssyncset.done $0x0  }
0xa0: {  	[sflag:s22] =	ssyncadd.s32 s3;
	_ =	sdelay $0x1  }
0xa1: {  	s23 =	simm.s32 $0x1B8B  }
0xa2: {  	_ =	swait.ge [sflag:s23], $0x1  }
0xa3: {  	[sflag:s23] =	ssyncset.done $0x0  }
0xa4: {  	s25 =	simm.s32 $0x1B8E;
	s24 =	sld [smem:$0x3FFE];
	[sflag:s23] =	ssyncadd.s32 $0xFFFFFFFF  }
0xa5: {  	s26 =	simm.s32 $execute0_lowered;
	[smem:$0x3FD2] =	sst s25  }
0xa6: {  	s4 =	sshll.u32 s26, $0x1;
	_ =	strace $0x80000046;
	[dreg:$0x1] =	wrdreg $0xFFFFFFFF  }
0xa7: {  	s28 =	simm.s32 $_size_execute0_lowered;
	s2 =	sadd.s32 s2, s4;
	[dreg:$0x0] =	wrdreg $0x0  }
0xa8: {  	s4 =	sshll.u32 s28, $0x1;
	[dreg:$0x2] =	wrdreg s2  }
0xa9: {  	[dreg:$0x3] =	wrdreg s4  }
0xaa: {  	[dreg:$0x4] =	wrdreg $0xC0  }
0xab: {  	_ =	task [dreg:s6], $0x5FFFF  }
0xac: {  	[dreg:$0x1] =	wrdreg $0xFFFFFFFF  }
0xad: {  	[dreg:$0x0] =	wrdreg $0x60  }
0xae: {  	[dreg:$0x2] =	wrdreg s24  }
0xaf: {  	[dreg:$0x3] =	wrdreg $0x2B000  }
0xb0: {  	[dreg:$0x4] =	wrdreg $0x9  }
0xb1: {  	_ =	task.clear_ibuf [dreg:s6], $0x5FFFF;
	_ =	strace $0x90000046  }
0xb2: {  	s29 =	simm.s32 $0x9;
	_ =	strace $0x80000048  }
0xb3: {  	_ =	swait.ge [sflag:s29], $0x1  }
0xb4: {  	[sflag:s29] =	ssyncadd.s32 $0xFFFFFFFF  }
0xb5: {  	_ =	strace $0x90000048  }
0xb6: {  	_ =	sfence  }
0xb7: {  	s30 =	sld [smem:$0x0];
	_ =	sdelay $0x2  }
0xb8: {  	s31 =	sshll.u32 s1, $0xD;
	s1 =	sshrl.u32 s1, $0x2  }
0xb9: {  	s3 =	sand.u32 $0x4000, s31;
	s1 =	sadd.s32 s1, s30  }
0xba: {  	s0 =	sor.u32 s3, s0;
	s1 =	sshll.u32 s1, $0x11  }
0xbb: {  	s0 =	sor.u32 s1, s0  }
0xbc: {  	s0 =	sadd.s32 $0x8F2B, s0  }
0xbd: {  	[sflag:s0] =	ssyncadd.remote.s32 $0x1  }
0xbe: {  	_ =	sfence.sel $0xFFFF  }
0xbf: {  	[dreg:$0x0] =	wrdreg $0xFFFFFFFF;
	(pc) =	sbr.abs _section_cstart, $3  }
0xc0: {  	[dreg:$0x1] =	wrdreg $0xFFFFFFFF  }
0xc1: {  	_ =	task.clear_ibuf [dreg:s6], $0x2FFFF;
	_ =	strace $0x9FFFFFFF  }
0xc2: {  	(tm) =	ssettm $0x7FFFFFFF  }
0xc3: {  	_ =	shalt  }
tec
execute0_lowered:
.L_overlay_start_1:
0x0: {  	(tag) =	ssettag $0x1  }
0x1: {  	s1 =	srdreg.scid  }
0x2: {  	s0 =	rddreg [dreg:$0x0];
	s4 =	simm.s32 $0x0;
	s1 =	sand.u32 $0x1, s1  }
0x3: {  	[smem:$0x7FF] =	sst s4;
	s4 =	sshll.u32 s1, $0x7  }
0x4: {  	s2 =	rddreg [dreg:$0x1];
	s8 =	sor.u32 $0x200, s4  }
0x5: {  	_ =	strace $0x80000047;
	s9 =	sor.u32 $0x300, s4;
	[dreg:$0x7] =	wrdreg s8  }
0x6: {  	s10 =	sor.u32 $0x400, s4;
	[dreg:$0x8] =	wrdreg s9  }
0x7: {  	s11 =	sor.u32 $0x500, s4;
	[dreg:$0x9] =	wrdreg s10  }
0x8: {  	s12 =	sor.u32 $0x600, s4;
	[dreg:$0xa] =	wrdreg s11  }
0x9: {  	s6 =	stileid.u32;
	s13 =	sor.u32 $0x700, s4;
	[dreg:$0xb] =	wrdreg s12  }
0xa: {  	s29 =	simm.s32 $0x20;
	s14 =	sor.u32 $0x800, s4;
	[dreg:$0xc] =	wrdreg s13  }
0xb: {  	s30 =	simm.s32 $0x10;
	s15 =	sor.u32 $0x900, s4;
	[dreg:$0xd] =	wrdreg s14  }
0xc: {  	s3 =	smul.u32 $0x500, s6;
	s16 =	sor.u32 $0xA00, s4;
	[dreg:$0xe] =	wrdreg s15  }
0xd: {  	s5 =	smul.u32 $0x2800, s6;
	s17 =	sor.u32 $0xB00, s4;
	[dreg:$0xf] =	wrdreg s16  }
0xe: {  	s6 =	smul.u32 $0xA00, s6;
	s18 =	sor.u32 $0xC00, s4;
	[dreg:$0x10] =	wrdreg s17  }
0xf: {  	s1 =	ssub.s32 $0x2, s1;
	s19 =	sor.u32 $0xD00, s4;
	[dreg:$0x11] =	wrdreg s18  }
0x10: {  	s3 =	sor.u32 s4, s3;
	s20 =	sor.u32 $0xE00, s4;
	[dreg:$0x12] =	wrdreg s19  }
0x11: {  	s7 =	sshrl.u32 s1, $0x1;
	s21 =	sor.u32 $0xF00, s4;
	[dreg:$0x13] =	wrdreg s20  }
0x12: {  	s5 =	sshrl.u32 s5, $0x3;
	s22 =	sor.u32 $0x1000, s4;
	[dreg:$0x14] =	wrdreg s21  }
0x13: {  	s28 =	sshrl.u32 s6, $0x2;
	s23 =	sor.u32 $0x1100, s4;
	[dreg:$0x15] =	wrdreg s22  }
0x14: {  	s24 =	sor.u32 $0x1200, s4;
	s25 =	sor.u32 $0x1300, s4;
	[dreg:$0x16] =	wrdreg s23  }
0x15: {  	s26 =	sor.u32 $0x1400, s4;
	s31 =	sor.u32 $0x1600, s4;
	[dreg:$0x17] =	wrdreg s24  }
0x16: {  	s3 =	sshrl.u32 s3, $0x3;
	s1 =	ssub.s32 s1, s7;
	[dreg:$0x18] =	wrdreg s25  }
0x17: {  	s6 =	sadd.s32 s28, s2;
	s7 =	sor.u32 $0x100, s4;
	[dreg:$0x19] =	wrdreg s26  }
0x18: {  	s28 =	sor.u32 $0x1500, s4;
	s8 =	sor.u32 $0x1C00, s4;
	s9 =	sor.u32 $0x1D00, s4  }
0x19: {  	s10 =	sor.u32 $0x1E00, s4;
	s11 =	sor.u32 $0x1F00, s4;
	s12 =	sor.u32 $0x2000, s4  }
0x1a: {  	s13 =	sor.u32 $0x2100, s4;
	s14 =	sor.u32 $0x2200, s4;
	s15 =	sor.u32 $0x2300, s4  }
0x1b: {  	s16 =	sor.u32 $0x2400, s4;
	s17 =	sor.u32 $0x2500, s4;
	s18 =	sor.u32 $0x2600, s4  }
0x1c: {  	s19 =	sor.u32 $0x2700, s4;
	s20 =	simm.s32 $0x2;
	s21 =	simm.s32 $0x80  }
0x1d: {  	s22 =	simm.s32 $0x2800;
	s23 =	simm.s32 $0x1;
	s24 =	simm.s32 $0x0  }
0x1e: {  	s3 =	sadd.s32 s3, s0;
	s0 =	sadd.s32 s0, s5;
	[dreg:$0x6] =	wrdreg s7  }
0x1f: {  	s5 =	smax.u32 s1, $0x1;
	[dreg:$0x1a] =	wrdreg s28;
	s1 =	sor.u32 $0x1900, s4  }
0x20: {  	s7 =	sor.u32 $0x1B00, s4;
	s0 =	sadd.s32 $0x7000, s0;
	[dreg:$0x5] =	wrdreg s5  }
0x21: {  	s3 =	sadd.s32 $0xC000, s3;
	s5 =	sor.u32 $0x1A00, s4;
	[dreg:$0x3] =	wrdreg s0  }
0x22: {  	v0 =	vimm.f32 $1.000000000e+00;
	v1 =	vimm.f32 $0.0e+00;
	[dreg:$0x4] =	wrdreg s3;
	s0 =	sor.u32 $0x1700, s4;
	s3 =	sor.u32 $0x1800, s4  }
.LBB2_1:
0x23: {  	[tilespmem:$0x2800] =	vst v0  }
0x24: {  	[tilespmem:$0x2810] =	vst v0  }
0x25: {  	[tilespmem:$0x2820] =	vst v0  }
0x26: {  	[tilespmem:$0x2830] =	vst v0  }
0x27: {  	[tilespmem:$0x2840] =	vst v0  }
0x28: {  	[tilespmem:$0x2850] =	vst v0  }
0x29: {  	[tilespmem:$0x2860] =	vst v0  }
0x2a: {  	[tilespmem:$0x2870] =	vst v0  }
0x2b: {  	[tilespmem:$0x2880] =	vst v1  }
0x2c: {  	[tilespmem:$0x2890] =	vst v1  }
0x2d: {  	[tilespmem:$0x28A0] =	vst v1  }
0x2e: {  	[tilespmem:$0x28B0] =	vst v1  }
0x2f: {  	[tilespmem:$0x28C0] =	vst v1  }
0x30: {  	[tilespmem:$0x28D0] =	vst v1  }
0x31: {  	[tilespmem:$0x28E0] =	vst v1  }
0x32: {  	[tilespmem:$0x28F0] =	vst v1  }
0x33: {  	[tilespmem:$0x2900] =	vst v1  }
0x34: {  	[tilespmem:$0x2910] =	vst v1  }
0x35: {  	[tilespmem:$0x2920] =	vst v1  }
0x36: {  	[tilespmem:$0x2930] =	vst v1  }
0x37: {  	[tilespmem:$0x2940] =	vst v1  }
0x38: {  	[tilespmem:$0x2950] =	vst v1  }
0x39: {  	[tilespmem:$0x2960] =	vst v1  }
0x3a: {  	[tilespmem:$0x2970] =	vst v1  }
0x3b: {  	[tilespmem:$0x2980] =	vst v1  }
0x3c: {  	[tilespmem:$0x2990] =	vst v1  }
0x3d: {  	[tilespmem:$0x29A0] =	vst v1  }
0x3e: {  	[tilespmem:$0x29B0] =	vst v1  }
0x3f: {  	[tilespmem:$0x29C0] =	vst v1  }
0x40: {  	[tilespmem:$0x29D0] =	vst v1  }
0x41: {  	[tilespmem:$0x29E0] =	vst v1  }
0x42: {  	[tilespmem:$0x29F0] =	vst v1  }
0x43: {  	[tilespmem:$0x2A00] =	vst v1  }
0x44: {  	[tilespmem:$0x2A10] =	vst v1  }
0x45: {  	[tilespmem:$0x2A20] =	vst v1  }
0x46: {  	[tilespmem:$0x2A30] =	vst v1  }
0x47: {  	[tilespmem:$0x2A40] =	vst v1  }
0x48: {  	[tilespmem:$0x2A50] =	vst v1  }
0x49: {  	[tilespmem:$0x2A60] =	vst v1  }
0x4a: {  	[tilespmem:$0x2A70] =	vst v1  }
0x4b: {  	[tilespmem:$0x2A80] =	vst v1  }
0x4c: {  	[tilespmem:$0x2A90] =	vst v1  }
0x4d: {  	[tilespmem:$0x2AA0] =	vst v1  }
0x4e: {  	[tilespmem:$0x2AB0] =	vst v1  }
0x4f: {  	[tilespmem:$0x2AC0] =	vst v1  }
0x50: {  	[tilespmem:$0x2AD0] =	vst v1  }
0x51: {  	[tilespmem:$0x2AE0] =	vst v1  }
0x52: {  	[tilespmem:$0x2AF0] =	vst v1;
	s25 =	simm.s32 $0x0;
	s26 =	rddreg [dreg:$0x3]  }
0x53: {  	[tilespmem:s25], [sflag:$0x2] =	stream.linear.gather [hbm4b:s26+s25], $0x2800, $0x38;
	[tilespmem:$0x2D80] =	vst v63  }
0x54: {  	_ =	swait.ge [sflag:s20], $0x2800  }
0x55: {  	[sflag:s20] =	ssyncset.done $0x0  }
0x56: {  	s26 =	simm.s32 $0x2880;
	[sflag:s20] =	ssyncadd.s32 $0xFFFFD800  }
0x57: {  	[spmem:s6] =	stream.linear.scatter [tilespmem:s26], [sflag:$0x2], $0x280, $0x38;
	[tilespmem:$0x2D80] =	vst v63  }
0x58: {  	_ =	swait.ge [sflag:s20], $0x280  }
0x59: {  	[sflag:s20] =	ssyncset.done $0x0  }
0x5a: {  	[sflag:s20] =	ssyncadd.s32 $0xFFFFFD80  }
0x5b: {  	[bflag:$0x0] =	sbarrier.arrive $0xFFFF  }
0x5c: {  	[spmem:s2] =	stream.indirect.scatter.add.f32 [tilespmem:s22], [sflag:$0x1], $0x1, s4, s21, $0xb8;
	[tilespmem:$0x2D80] =	vst v63  }
0x5d: {  	s28 =	rddreg [dreg:$0x6]  }
0x5e: {  	[spmem:s2] =	stream.indirect.scatter.add.f32 [tilespmem:s22], [sflag:$0x1], $0x1, s28, s21, $0xb8;
	[tilespmem:$0x2D80] =	vst v63  }
0x5f: {  	s26 =	rddreg [dreg:$0x7]  }
0x60: {  	[spmem:s2] =	stream.indirect.scatter.add.f32 [tilespmem:s22], [sflag:$0x1], $0x1, s26, s21, $0xb8;
	[tilespmem:$0x2D80] =	vst v63  }
0x61: {  	s28 =	rddreg [dreg:$0x8]  }
0x62: {  	[spmem:s2] =	stream.indirect.scatter.add.f32 [tilespmem:s22], [sflag:$0x1], $0x1, s28, s21, $0xb8;
	[tilespmem:$0x2D80] =	vst v63  }
0x63: {  	s26 =	rddreg [dreg:$0x9]  }
0x64: {  	[spmem:s2] =	stream.indirect.scatter.add.f32 [tilespmem:s22], [sflag:$0x1], $0x1, s26, s21, $0xb8;
	[tilespmem:$0x2D80] =	vst v63  }
0x65: {  	s28 =	rddreg [dreg:$0xa]  }
0x66: {  	[spmem:s2] =	stream.indirect.scatter.add.f32 [tilespmem:s22], [sflag:$0x1], $0x1, s28, s21, $0xb8;
	[tilespmem:$0x2D80] =	vst v63  }
0x67: {  	s26 =	rddreg [dreg:$0xb]  }
0x68: {  	[spmem:s2] =	stream.indirect.scatter.add.f32 [tilespmem:s22], [sflag:$0x1], $0x1, s26, s21, $0xb8;
	[tilespmem:$0x2D80] =	vst v63  }
0x69: {  	s28 =	rddreg [dreg:$0xc]  }
0x6a: {  	[spmem:s2] =	stream.indirect.scatter.add.f32 [tilespmem:s22], [sflag:$0x1], $0x1, s28, s21, $0xb8;
	[tilespmem:$0x2D80] =	vst v63  }
0x6b: {  	s26 =	rddreg [dreg:$0xd]  }
0x6c: {  	[spmem:s2] =	stream.indirect.scatter.add.f32 [tilespmem:s22], [sflag:$0x1], $0x1, s26, s21, $0xb8;
	[tilespmem:$0x2D80] =	vst v63  }
0x6d: {  	s28 =	rddreg [dreg:$0xe]  }
0x6e: {  	[spmem:s2] =	stream.indirect.scatter.add.f32 [tilespmem:s22], [sflag:$0x1], $0x1, s28, s21, $0xb8;
	[tilespmem:$0x2D80] =	vst v63  }
0x6f: {  	s26 =	rddreg [dreg:$0xf]  }
0x70: {  	[spmem:s2] =	stream.indirect.scatter.add.f32 [tilespmem:s22], [sflag:$0x1], $0x1, s26, s21, $0xb8;
	[tilespmem:$0x2D80] =	vst v63  }
0x71: {  	s28 =	rddreg [dreg:$0x10]  }
0x72: {  	[spmem:s2] =	stream.indirect.scatter.add.f32 [tilespmem:s22], [sflag:$0x1], $0x1, s28, s21, $0xb8;
	[tilespmem:$0x2D80] =	vst v63  }
0x73: {  	s26 =	rddreg [dreg:$0x11]  }
0x74: {  	[spmem:s2] =	stream.indirect.scatter.add.f32 [tilespmem:s22], [sflag:$0x1], $0x1, s26, s21, $0xb8;
	[tilespmem:$0x2D80] =	vst v63  }
0x75: {  	s28 =	rddreg [dreg:$0x12]  }
0x76: {  	[spmem:s2] =	stream.indirect.scatter.add.f32 [tilespmem:s22], [sflag:$0x1], $0x1, s28, s21, $0xb8;
	[tilespmem:$0x2D80] =	vst v63  }
0x77: {  	s26 =	rddreg [dreg:$0x13]  }
0x78: {  	[spmem:s2] =	stream.indirect.scatter.add.f32 [tilespmem:s22], [sflag:$0x1], $0x1, s26, s21, $0xb8;
	[tilespmem:$0x2D80] =	vst v63  }
0x79: {  	s28 =	rddreg [dreg:$0x14]  }
0x7a: {  	[spmem:s2] =	stream.indirect.scatter.add.f32 [tilespmem:s22], [sflag:$0x1], $0x1, s28, s21, $0xb8;
	[tilespmem:$0x2D80] =	vst v63  }
0x7b: {  	s26 =	rddreg [dreg:$0x15]  }
0x7c: {  	[spmem:s2] =	stream.indirect.scatter.add.f32 [tilespmem:s22], [sflag:$0x1], $0x1, s26, s21, $0xb8;
	[tilespmem:$0x2D80] =	vst v63  }
0x7d: {  	s28 =	rddreg [dreg:$0x16]  }
0x7e: {  	[spmem:s2] =	stream.indirect.scatter.add.f32 [tilespmem:s22], [sflag:$0x1], $0x1, s28, s21, $0xb8;
	[tilespmem:$0x2D80] =	vst v63  }
0x7f: {  	s26 =	rddreg [dreg:$0x17]  }
0x80: {  	[spmem:s2] =	stream.indirect.scatter.add.f32 [tilespmem:s22], [sflag:$0x1], $0x1, s26, s21, $0xb8;
	[tilespmem:$0x2D80] =	vst v63  }
0x81: {  	s28 =	rddreg [dreg:$0x18]  }
0x82: {  	[spmem:s2] =	stream.indirect.scatter.add.f32 [tilespmem:s22], [sflag:$0x1], $0x1, s28, s21, $0xb8;
	[tilespmem:$0x2D80] =	vst v63  }
0x83: {  	s26 =	rddreg [dreg:$0x19]  }
0x84: {  	[spmem:s2] =	stream.indirect.scatter.add.f32 [tilespmem:s22], [sflag:$0x1], $0x1, s26, s21, $0xb8;
	[tilespmem:$0x2D80] =	vst v63  }
0x85: {  	s28 =	rddreg [dreg:$0x1a]  }
0x86: {  	[spmem:s2] =	stream.indirect.scatter.add.f32 [tilespmem:s22], [sflag:$0x1], $0x1, s28, s21, $0xb8;
	[tilespmem:$0x2D80] =	vst v63  }
0x87: {  	_ = 	snop  }
0x88: {  	[spmem:s2] =	stream.indirect.scatter.add.f32 [tilespmem:s22], [sflag:$0x1], $0x1, s31, s21, $0xb8;
	[tilespmem:$0x2D80] =	vst v63  }
0x89: {  	_ = 	snop  }
0x8a: {  	[spmem:s2] =	stream.indirect.scatter.add.f32 [tilespmem:s22], [sflag:$0x1], $0x1, s0, s21, $0xb8;
	[tilespmem:$0x2D80] =	vst v63  }
0x8b: {  	_ = 	snop  }
0x8c: {  	[spmem:s2] =	stream.indirect.scatter.add.f32 [tilespmem:s22], [sflag:$0x1], $0x1, s3, s21, $0xb8;
	[tilespmem:$0x2D80] =	vst v63  }
0x8d: {  	_ = 	snop  }
0x8e: {  	[spmem:s2] =	stream.indirect.scatter.add.f32 [tilespmem:s22], [sflag:$0x1], $0x1, s1, s21, $0xb8;
	[tilespmem:$0x2D80] =	vst v63  }
0x8f: {  	_ = 	snop  }
0x90: {  	[spmem:s2] =	stream.indirect.scatter.add.f32 [tilespmem:s22], [sflag:$0x1], $0x1, s5, s21, $0xb8;
	[tilespmem:$0x2D80] =	vst v63  }
0x91: {  	_ = 	snop  }
0x92: {  	[spmem:s2] =	stream.indirect.scatter.add.f32 [tilespmem:s22], [sflag:$0x1], $0x1, s7, s21, $0xb8;
	[tilespmem:$0x2D80] =	vst v63  }
0x93: {  	_ = 	snop  }
0x94: {  	[spmem:s2] =	stream.indirect.scatter.add.f32 [tilespmem:s22], [sflag:$0x1], $0x1, s8, s21, $0xb8;
	[tilespmem:$0x2D80] =	vst v63  }
0x95: {  	_ = 	snop  }
0x96: {  	[spmem:s2] =	stream.indirect.scatter.add.f32 [tilespmem:s22], [sflag:$0x1], $0x1, s9, s21, $0xb8;
	[tilespmem:$0x2D80] =	vst v63  }
0x97: {  	_ = 	snop  }
0x98: {  	[spmem:s2] =	stream.indirect.scatter.add.f32 [tilespmem:s22], [sflag:$0x1], $0x1, s10, s21, $0xb8;
	[tilespmem:$0x2D80] =	vst v63  }
0x99: {  	_ = 	snop  }
0x9a: {  	[spmem:s2] =	stream.indirect.scatter.add.f32 [tilespmem:s22], [sflag:$0x1], $0x1, s11, s21, $0xb8;
	[tilespmem:$0x2D80] =	vst v63  }
0x9b: {  	_ = 	snop  }
0x9c: {  	[spmem:s2] =	stream.indirect.scatter.add.f32 [tilespmem:s22], [sflag:$0x1], $0x1, s12, s21, $0xb8;
	[tilespmem:$0x2D80] =	vst v63  }
0x9d: {  	_ = 	snop  }
0x9e: {  	[spmem:s2] =	stream.indirect.scatter.add.f32 [tilespmem:s22], [sflag:$0x1], $0x1, s13, s21, $0xb8;
	[tilespmem:$0x2D80] =	vst v63  }
0x9f: {  	_ = 	snop  }
0xa0: {  	[spmem:s2] =	stream.indirect.scatter.add.f32 [tilespmem:s22], [sflag:$0x1], $0x1, s14, s21, $0xb8;
	[tilespmem:$0x2D80] =	vst v63  }
0xa1: {  	_ = 	snop  }
0xa2: {  	[spmem:s2] =	stream.indirect.scatter.add.f32 [tilespmem:s22], [sflag:$0x1], $0x1, s15, s21, $0xb8;
	[tilespmem:$0x2D80] =	vst v63  }
0xa3: {  	_ = 	snop  }
0xa4: {  	[spmem:s2] =	stream.indirect.scatter.add.f32 [tilespmem:s22], [sflag:$0x1], $0x1, s16, s21, $0xb8;
	[tilespmem:$0x2D80] =	vst v63  }
0xa5: {  	_ = 	snop  }
0xa6: {  	[spmem:s2] =	stream.indirect.scatter.add.f32 [tilespmem:s22], [sflag:$0x1], $0x1, s17, s21, $0xb8;
	[tilespmem:$0x2D80] =	vst v63  }
0xa7: {  	_ = 	snop  }
0xa8: {  	[spmem:s2] =	stream.indirect.scatter.add.f32 [tilespmem:s22], [sflag:$0x1], $0x1, s18, s21, $0xb8;
	[tilespmem:$0x2D80] =	vst v63  }
0xa9: {  	_ = 	snop  }
0xaa: {  	[spmem:s2] =	stream.indirect.scatter.add.f32 [tilespmem:s22], [sflag:$0x1], $0x1, s19, s21, $0xb8;
	[tilespmem:$0x2D80] =	vst v63  }
0xab: {  	_ =	swait.ge [sflag:s23], $0x80  }
0xac: {  	s25 =	simm.s32 $0x27;
	[sflag:s23] =	ssyncset.done $0x0  }
.LBB2_2:
0xad: {  	p0 =	sne.s32 s25, $0x1;
	s25 =	sadd.s32 $0xFFFFFFFF, s25;
	[sflag:s23] =	ssyncadd.s32 $0xFFFFFF80  }
.Ltmp0:
0xae: {  	(pc) =	sbr.rel @p0 .LBB2_2-.Ltmp0, $3  }
0xaf: {  	_ =	sdelay $0x1  }
0xb0: {  	_ =	swait.ge [sflag:s23], $0x80  }
0xb1: {  	[sflag:s23] =	ssyncset.done $0x0  }
0xb2: {  	[sflag:s23] =	ssyncadd.s32 $0xFFFFFF80;
	s25 =	stileid.u32  }
0xb3: {  	s25 =	sshll.u32 s25, $0x6;
	[bflag:$0x0] =	sbarrier.arrive $0xFFFF  }
0xb4: {  	s26 =	sshrl.u32 s6, $0x3;
	s25 =	sor.u32 $0x1C02, s25;
	s28 =	rddreg [dreg:$0x4]  }
0xb5: {  	[hbm:s28@s29], [sflag:s25] =	dma.strided [spmem:s26@s30], $0x50, s23, $0x10   }
0xb6: {  	_ =	swait.ge [sflag:s20], $0x50  }
0xb7: {  	s24 =	sadd.s32 $0x1, s24;
	s28 =	rddreg [dreg:$0x5]  }
0xb8: {  	p0 =	sne.s32 s24, s28  }
.Ltmp1:
0xb9: {  	_ = 	snop;
	(pc) =	sbr.rel @p0 .LBB2_1-.Ltmp1, $3  }
0xba: {  	_ =	sdelay $0x1  }
0xbb: {  	[sflag:s20] =	ssyncset.done $0x0  }
0xbc: {  	[sflag:s20] =	ssyncadd.s32 $0xFFFFFFB0  }
0xbd: {  	_ =	sfence.sel $0x180000  }
0xbe: {  	[bflag:$0x0] =	sbarrier.arrive $0xFFFF  }
0xbf: {  	_ =	strace $0x90000047  }
0xc0: {  	s0 =	stileid.u32;
	[bflag:$0x2] =	sbarrier.arrive $0xFFFF  }
0xc1: {  	p0 =	sne.s32 s0, $0x0;
	s0 =	rddreg [dreg:$0x2]  }
0xc2: {  	s0 =	sadd.s32 @!p0 $0x100000, s0  }
0xc3: {  	[sflag:s0] =	ssyncadd.tile.s32 @!p0 $0x1;
	_ =	shalt  }
.Lfunc_end2:
_tile_overlayer_lowered:
.L_overlay_start_2:
0xc4: {  	(tag) =	ssettag $0x2  }
0xc5: {  	s0 =	rddreg [dreg:$0x0];
	s2 =	stileid.u32  }
0xc6: {  	s1 =	rddreg [dreg:$0x1];
	p0 =	sne.s32 s2, $0x0  }
0xc7: {  	s3 =	rddreg [dreg:$0x2];
	[bflag:$0x3] =	sbarrier.arrive $0xFFFF;
	s2 =	simm.s32 @!p0 $0x1C02  }
0xc8: {  	[timem:s3], [sflag:s2] =	dma.local @!p0 [hbm:s0], s1  }
0xc9: {  	s0 =	simm.s32 @!p0 $0x2  }
0xca: {  	_ =	swait.ge @!p0 [sflag:s0], s1  }
0xcb: {  	s1 =	ssub.s32 @!p0 $0x0, s1;
	[sflag:s0] =	ssyncset.done @!p0 $0x0  }
0xcc: {  	[sflag:s0] =	ssyncadd.s32 @!p0 s1  }
0xcd: {  	[bflag:$0x3] =	sbarrier.arrive $0xFFFF  }
0xce: {  	_ =	shalt  }

// kernel: kernel.9.cloned.1.call-start
scs
__scs_entry_jumppad:
0x0: {  	(pc) =	sbr.rel $0x88, $3  }
0x1: {  	(tag) =	ssettag $0x0;
	lr =	simm.s32 $0x1  }
0x2: {  	[smem:$0x3F98] =	sst lr;
	_ =	strace $0xD0000000  }
0x3: {  	_ = 	snop  }
0x4: {  	_ = 	snop  }
0x5: {  	_ = 	snop  }
0x6: {  	_ = 	snop  }
0x7: {  	_ = 	snop  }
__scs_overlays_trampoline_lowered:
0x8: {  	[smem:$0x3FA7] =	sst s0  }
0x9: {  	[smem:$0x3FA8] =	sst s1  }
0xa: {  	[smem:$0x3FA9] =	sst s2  }
0xb: {  	[smem:$0x3FAA] =	sst s3  }
0xc: {  	[smem:$0x3FAB] =	sst s4  }
0xd: {  	[smem:$0x3FAC] =	sst s5  }
0xe: {  	[smem:$0x3FAD] =	sst s6  }
0xf: {  	[smem:$0x3FAE] =	sst s7  }
0x10: {  	[smem:$0x3FAF] =	sst s8  }
0x11: {  	[smem:$0x3FB0] =	sst s9;
	s0 =	simm.s32 @!p0 $0x0  }
0x12: {  	s1 =	sld [smem:$0x3F96];
	s0 =	simm.s32 @p0 $0x1  }
0x13: {  	[smem:$0x3FB1] =	sst s0;
	s0 =	simm.s32 @!p1 $0x0  }
0x14: {  	s2 =	sld [smem:$0x3F95];
	s0 =	simm.s32 @p1 $0x1  }
0x15: {  	[smem:$0x3FB2] =	sst s0;
	s0 =	simm.s32 @!p2 $0x0  }
0x16: {  	s3 =	sld [smem:$0x3FDB];
	s0 =	simm.s32 @p2 $0x1  }
0x17: {  	s4 =	simm.s32 $0x1BF5;
	[smem:$0x3FB4] =	sst s0  }
0x18: {  	s0 =	sld [smem:$0x3F97];
	_ =	swait.ge [sflag:s4], $0x0  }
0x19: {  	s7 =	sld [smem:$0x3F98]  }
0x1a: {  	s8 =	sadd.s32 $0xFFFFE003, lr  }
0x1b: {  	s9 =	sadd.s32 $0xFFFFFEF7, lr;
	s5 =	simm.s32 $0xFFFFFFFF;
	p2 =	slt.u32 s8, $0xFFFFF086  }
0x1c: {  	p1 =	slt.u32 s9, $0xF7A;
	s5 =	simm.s32 @!p2 $0x0  }
0x1d: {  	s5 =	simm.s32 @p1 $0x1;
	p0 =	seq.s32 s7, s2  }
0x1e: {  	s7 =	smul.u32 @!p0 $0xF7A, s2;
	p2 =	seq.s32 @!p0 s5, $0x0  }
0x1f: {  	s9 =	smul.u32 $0xF7A, s1;
	s8 =	simm.s32 @!p0 $0x1BF5;
	p2 =	por !p2, p0  }
0x20: {  	[sflag:s8] =	ssyncset.s32 @!p0 $0xFFFFF086;
	s6 =	sadd.s32 @!p0 s3, s7;
	s7 =	simm.s32 @!p0 $0x108  }
0x21: {  	s3 =	sadd.s32 s3, s9;
	s6 =	sadd.s32 @!p0 $0x88, s6;
	s7 =	simm.s32 @p2 $0x1082  }
0x22: {  	[simem:s7], [sflag:s8] =	dma.local @!p0 [hbm:s6], $0xF7A  }
0x23: {  	s9 =	sor.u32 $0xD0000000, s2;
	s6 =	simm.s32 $0x108;
	_ =	swait.ge @!p0 [sflag:s8], $0x0  }
0x24: {  	s3 =	sadd.s32 $0x88, s3;
	s6 =	simm.s32 @!p1 $0x1082;
	[sflag:s4] =	ssyncset.s32 $0xFFFFF086  }
0x25: {  	[simem:s6], [sflag:s4] =	dma.local [hbm:s3], $0xF7A  }
0x26: {  	[smem:$0x3F98] =	sst s1;
	(tag) =	ssettag s2;
	_ =	strace s9  }
0x27: {  	s1 =	sld [smem:$0x3FA8]  }
0x28: {  	s2 =	sld [smem:$0x3FA9]  }
0x29: {  	s4 =	sld [smem:$0x3FAB]  }
0x2a: {  	p0 =	seq.s32 s5, $0x0;
	s5 =	sld [smem:$0x3FAC]  }
0x2b: {  	s6 =	sld [smem:$0x3FAD]  }
0x2c: {  	s7 =	sld [smem:$0x3FAE]  }
0x2d: {  	s3 =	simm.s32 $0x108;
	s8 =	sld [smem:$0x3FAF]  }
0x2e: {  	s3 =	simm.s32 @!p0 $0x1082;
	s9 =	sld [smem:$0x3FB0]  }
0x2f: {  	lr =	sadd.s32 s0, s3;
	s0 =	sld [smem:$0x3FA7]  }
0x30: {  	s3 =	sld [smem:$0x3FAA]  }
0x31: {  	[smem:$0x3FB3] =	sst s10  }
0x32: {  	s10 =	sld [smem:$0x3FB1];
	_ =	sdelay $0x3  }
0x33: {  	p0 =	seq.s32 s10, $0x1;
	s10 =	sld [smem:$0x3FB3];
	_ =	sdelay $0x3  }
0x34: {  	[smem:$0x3FB3] =	sst s10  }
0x35: {  	s10 =	sld [smem:$0x3FB2];
	_ =	sdelay $0x3  }
0x36: {  	p1 =	seq.s32 s10, $0x1;
	s10 =	sld [smem:$0x3FB3];
	_ =	sdelay $0x3  }
0x37: {  	[smem:$0x3FB3] =	sst s10  }
0x38: {  	s10 =	sld [smem:$0x3FB4]  }
0x39: {  	_ = 	snop;
	(pc) =	sbr.ind lr, $3  }
0x3a: {  	_ = 	snop  }
0x3b: {  	_ = 	snop  }
0x3c: {  	p2 =	seq.s32 s10, $0x1;
	s10 =	sld [smem:$0x3FB3]  }
0x3d: {  	_ =	shalt  }
0x3e: {  	_ =	shalt  }
0x3f: {  	_ =	shalt  }
0x40: {  	_ =	shalt  }
0x41: {  	_ =	shalt  }
0x42: {  	_ =	shalt  }
0x43: {  	_ =	shalt  }
0x44: {  	_ =	shalt  }
0x45: {  	_ =	shalt  }
0x46: {  	_ =	shalt  }
0x47: {  	_ =	shalt  }
0x48: {  	_ =	shalt  }
0x49: {  	_ =	shalt  }
0x4a: {  	_ =	shalt  }
0x4b: {  	_ =	shalt  }
0x4c: {  	_ =	shalt  }
0x4d: {  	_ =	shalt  }
0x4e: {  	_ =	shalt  }
0x4f: {  	_ =	shalt  }
0x50: {  	_ =	shalt  }
0x51: {  	_ =	shalt  }
0x52: {  	_ =	shalt  }
0x53: {  	_ =	shalt  }
0x54: {  	_ =	shalt  }
0x55: {  	_ =	shalt  }
0x56: {  	_ =	shalt  }
0x57: {  	_ =	shalt  }
0x58: {  	_ =	shalt  }
0x59: {  	_ =	shalt  }
0x5a: {  	_ =	shalt  }
0x5b: {  	_ =	shalt  }
0x5c: {  	_ =	shalt  }
0x5d: {  	_ =	shalt  }
0x5e: {  	_ =	shalt  }
0x5f: {  	_ =	shalt  }
0x60: {  	_ =	shalt  }
0x61: {  	_ =	shalt  }
0x62: {  	_ =	shalt  }
0x63: {  	_ =	shalt  }
0x64: {  	_ =	shalt  }
0x65: {  	_ =	shalt  }
0x66: {  	_ =	shalt  }
0x67: {  	_ =	shalt  }
0x68: {  	_ =	shalt  }
0x69: {  	_ =	shalt  }
0x6a: {  	_ =	shalt  }
0x6b: {  	_ =	shalt  }
0x6c: {  	_ =	shalt  }
0x6d: {  	_ =	shalt  }
0x6e: {  	_ =	shalt  }
0x6f: {  	_ =	shalt  }
0x70: {  	_ =	shalt  }
0x71: {  	_ =	shalt  }
0x72: {  	_ =	shalt  }
0x73: {  	_ =	shalt  }
0x74: {  	_ =	shalt  }
0x75: {  	_ =	shalt  }
0x76: {  	_ =	shalt  }
0x77: {  	_ =	shalt  }
0x78: {  	_ =	shalt  }
0x79: {  	_ =	shalt  }
0x7a: {  	_ =	shalt  }
0x7b: {  	_ =	shalt  }
0x7c: {  	_ =	shalt  }
0x7d: {  	_ =	shalt  }
0x7e: {  	_ =	shalt  }
0x7f: {  	_ =	shalt  }
0x80: {  	_ =	shalt  }
0x81: {  	_ =	shalt  }
0x82: {  	_ =	shalt  }
0x83: {  	_ =	shalt  }
0x84: {  	_ =	shalt  }
0x85: {  	_ =	shalt  }
0x86: {  	_ =	shalt  }
0x87: {  	_ =	shalt  }
.Lfunc_end0:
.L_simem_size_0:
called_computation.1_lowered:
.L_overlay_start_0:
0x88: {  	s2 =	sld [smem:$0x3FD9]  }
0x89: {  	s3 =	sld [smem:$0x3FFE];
	_ =	sdelay $0x1  }
0x8a: {  	s1 =	srdreg.scid  }
0x8b: {  	s0 =	sand.u32 $0x1, s1  }
0x8c: {  	s16 =	sshll.u32 s0, $0xA;
	s2 =	sadd.s32 s3, s2  }
0x8d: {  	s2 =	sadd.s32 s2, s16  }
0x8e: {  	[smem:$0x3FBF] =	sst s2  }
0x8f: {  	_ = 	snop  }
0x90: {  	(tm) =	ssettm $0x1  }
0x91: {  	s17 =	sld [smem:$0x3FFB];
	_ =	sdelay $0x3  }
0x92: {  	_ =	strace s17  }
0x93: {  	s2 =	sld [smem:$0x3FFC];
	_ =	sdelay $0x3  }
0x94: {  	_ =	strace s2  }
0x95: {  	s2 =	sld [smem:$0x3FFD];
	_ =	sdelay $0x3  }
0x96: {  	_ =	strace s2  }
0x97: {  	_ =	strace $0x8FFFFFFF  }
0x98: {  	s18 =	sld [smem:$0x3FDB];
	_ =	sdelay $0x1  }
0x99: {  	s19 =	simm.s32 $_scs_section_size  }
0x9a: {  	s4 =	simm.s32 $_size__tile_overlayer_lowered;
	s5 =	simm.s32 $_tile_overlayer_lowered  }
0x9b: {  	s22 =	simm.s32 $0x1BFF;
	s21 =	sshll.u32 s5, $0x1;
	s2 =	sadd.s32 s19, s18  }
0x9c: {  	s6 =	simm.s32 $0x0;
	s20 =	sshll.u32 s4, $0x1;
	s4 =	sadd.s32 s21, s2  }
0x9d: {  	[timem:s6], [sflag:s22] =	dma.local [hbm:s4], s20  }
0x9e: {  	_ =	swait.ge [sflag:s22], s20  }
0x9f: {  	s3 =	ssub.s32 $0x0, s20;
	[sflag:s22] =	ssyncset.done $0x0  }
0xa0: {  	[sflag:s22] =	ssyncadd.s32 s3;
	_ =	sdelay $0x1  }
0xa1: {  	s23 =	simm.s32 $0x1B8B  }
0xa2: {  	_ =	swait.ge [sflag:s23], $0x1  }
0xa3: {  	[sflag:s23] =	ssyncset.done $0x0  }
0xa4: {  	s25 =	simm.s32 $0x1B8E;
	s24 =	sld [smem:$0x3FFE];
	[sflag:s23] =	ssyncadd.s32 $0xFFFFFFFF  }
0xa5: {  	s26 =	simm.s32 $execute0_lowered;
	[smem:$0x3FD2] =	sst s25  }
0xa6: {  	s4 =	sshll.u32 s26, $0x1;
	_ =	strace $0x80000049;
	[dreg:$0x1] =	wrdreg $0xFFFFFFFF  }
0xa7: {  	s28 =	simm.s32 $_size_execute0_lowered;
	s2 =	sadd.s32 s2, s4;
	[dreg:$0x0] =	wrdreg $0x0  }
0xa8: {  	s4 =	sshll.u32 s28, $0x1;
	[dreg:$0x2] =	wrdreg s2  }
0xa9: {  	[dreg:$0x3] =	wrdreg s4  }
0xaa: {  	[dreg:$0x4] =	wrdreg $0xC0  }
0xab: {  	_ =	task [dreg:s6], $0x5FFFF  }
0xac: {  	[dreg:$0x1] =	wrdreg $0xFFFFFFFF  }
0xad: {  	[dreg:$0x0] =	wrdreg $0x60  }
0xae: {  	[dreg:$0x2] =	wrdreg s24  }
0xaf: {  	[dreg:$0x3] =	wrdreg $0xA8000  }
0xb0: {  	[dreg:$0x4] =	wrdreg $0x9  }
0xb1: {  	_ =	task.clear_ibuf [dreg:s6], $0x5FFFF;
	_ =	strace $0x90000049  }
0xb2: {  	s29 =	simm.s32 $0x9;
	_ =	strace $0x8000004B  }
0xb3: {  	_ =	swait.ge [sflag:s29], $0x1  }
0xb4: {  	[sflag:s29] =	ssyncadd.s32 $0xFFFFFFFF  }
0xb5: {  	_ =	strace $0x9000004B  }
0xb6: {  	_ =	sfence  }
0xb7: {  	s30 =	sld [smem:$0x0];
	_ =	sdelay $0x2  }
0xb8: {  	s31 =	sshll.u32 s1, $0xD;
	s1 =	sshrl.u32 s1, $0x2  }
0xb9: {  	s3 =	sand.u32 $0x4000, s31;
	s1 =	sadd.s32 s1, s30  }
0xba: {  	s0 =	sor.u32 s3, s0;
	s1 =	sshll.u32 s1, $0x11  }
0xbb: {  	s0 =	sor.u32 s1, s0  }
0xbc: {  	s0 =	sadd.s32 $0x8F2B, s0  }
0xbd: {  	[sflag:s0] =	ssyncadd.remote.s32 $0x1  }
0xbe: {  	_ =	sfence.sel $0xFFFF  }
0xbf: {  	[dreg:$0x0] =	wrdreg $0xFFFFFFFF;
	(pc) =	sbr.abs _section_cstart, $3  }
0xc0: {  	[dreg:$0x1] =	wrdreg $0xFFFFFFFF  }
0xc1: {  	_ =	task.clear_ibuf [dreg:s6], $0x2FFFF;
	_ =	strace $0x9FFFFFFF  }
0xc2: {  	(tm) =	ssettm $0x7FFFFFFF  }
0xc3: {  	_ =	shalt  }
tec
execute0_lowered:
.L_overlay_start_1:
0x0: {  	(tag) =	ssettag $0x1  }
0x1: {  	s4 =	rddreg [dreg:$0x0]  }
0x2: {  	s1 =	rddreg [dreg:$0x1]  }
0x3: {  	s2 =	srdreg.scid;
	s0 =	rddreg [dreg:$0x2]  }
0x4: {  	s3 =	simm.s32 $0x0;
	s16 =	simm.s32 $0x2800;
	s17 =	simm.s32 $0x3  }
0x5: {  	s18 =	simm.s32 $0x80;
	s19 =	simm.s32 $0x2;
	s5 =	sand.u32 $0x1, s2  }
0x6: {  	s20 =	simm.s32 $0x2780;
	s2 =	stileid.u32;
	s6 =	smul.u32 $0x140000, s5  }
0x7: {  	s21 =	simm.s32 $0x6800;
	s22 =	simm.s32 $0x0;
	s7 =	smul.u32 $0x2800, s2  }
0x8: {  	[smem:$0x7FF] =	sst s3;
	s9 =	smul.u32 $0x14000, s2;
	s5 =	ssub.s32 $0x2, s5  }
0x9: {  	_ =	strace $0x8000004A;
	s30 =	smul.u32 $0x50000, s2;
	s31 =	sshrl.u32 s5, $0x1  }
0xa: {  	s8 =	sshrl.u32 s6, $0x3;
	s7 =	sshrl.u32 s7, $0x3;
	s6 =	sadd.s32 s9, s6  }
0xb: {  	s15 =	ssub.s32 s5, s31;
	s11 =	sadd.s32 s8, s4;
	s13 =	sadd.s32 s7, s4  }
0xc: {  	s6 =	sshrl.u32 s6, $0x3;
	s8 =	sshrl.u32 s30, $0x2;
	s15 =	smax.u32 s15, $0x1  }
0xd: {  	s14 =	sadd.s32 s6, s4;
	s4 =	sadd.s32 s8, s1;
	s9 =	sadd.s32 $0x2000, s13  }
0xe: {  	s10 =	sadd.s32 $0x7000, s13;
	s11 =	sadd.s32 $0xC000, s11;
	s12 =	sadd.s32 $0x2280, s13  }
0xf: {  	s13 =	sadd.s32 $0x7280, s13;
	s5 =	sadd.s32 $0x4000, s4;
	s6 =	sadd.s32 $0x8000, s4  }
0x10: {  	v0 =	vimm.f32 $0.0e+00;
	s7 =	sadd.s32 $0xC000, s4;
	s8 =	sadd.s32 $0x10000, s4;
	s14 =	sadd.s32 $0x5C000, s14  }
.LBB2_1:
0x11: {  	s23 =	simm.s32 $0x0;
	s24 =	simm.s32 $0x200  }
.LBB2_2:
0x12: {  	p0 =	sne.s32 s24, $0xFE00;
	[tilespmem:s23+$0x2870] =	vst v0  }
0x13: {  	[tilespmem:s23+$0x2800] =	vst v0  }
0x14: {  	[tilespmem:s23+$0x2810] =	vst v0  }
.Ltmp0:
0x15: {  	[tilespmem:s23+$0x2820] =	vst v0;
	(pc) =	sbr.rel @p0 .LBB2_2-.Ltmp0, $4  }
0x16: {  	[tilespmem:s23+$0x2830] =	vst v0  }
0x17: {  	[tilespmem:s23+$0x2840] =	vst v0  }
0x18: {  	[tilespmem:s23+$0x2850] =	vst v0  }
0x19: {  	[tilespmem:s23+$0x2860] =	vst v0;
	s23 =	sshra.s32 s24, $0x2;
	s24 =	sadd.s32 $0x200, s24  }
0x1a: {  	[tilespmem:s23+$0x2870] =	vst v0  }
0x1b: {  	[tilespmem:s23+$0x2800] =	vst v0  }
0x1c: {  	[tilespmem:s23+$0x2810] =	vst v0  }
0x1d: {  	[tilespmem:s23+$0x2820] =	vst v0  }
0x1e: {  	[tilespmem:s23+$0x2830] =	vst v0  }
0x1f: {  	[tilespmem:s23+$0x2840] =	vst v0  }
0x20: {  	[tilespmem:s23+$0x2850] =	vst v0  }
0x21: {  	[tilespmem:s23+$0x2860] =	vst v0  }
0x22: {  	[spmem:s4] =	stream.linear.scatter [tilespmem:s16], [sflag:$0x3], $0x4000, $0x38;
	[tilespmem:$0x1E800] =	vst v63  }
0x23: {  	_ =	swait.ge [sflag:s17], $0x4000  }
0x24: {  	[sflag:s17] =	ssyncset.done $0x0  }
0x25: {  	[sflag:s17] =	ssyncadd.s32 $0xFFFFC000  }
0x26: {  	[spmem:s5] =	stream.linear.scatter [tilespmem:s16], [sflag:$0x3], $0x4000, $0x38;
	[tilespmem:$0x1E800] =	vst v63  }
0x27: {  	_ =	swait.ge [sflag:s17], $0x4000  }
0x28: {  	[sflag:s17] =	ssyncset.done $0x0  }
0x29: {  	[sflag:s17] =	ssyncadd.s32 $0xFFFFC000  }
0x2a: {  	[spmem:s6] =	stream.linear.scatter [tilespmem:s16], [sflag:$0x3], $0x4000, $0x38;
	[tilespmem:$0x1E800] =	vst v63  }
0x2b: {  	_ =	swait.ge [sflag:s17], $0x4000  }
0x2c: {  	[sflag:s17] =	ssyncset.done $0x0  }
0x2d: {  	[sflag:s17] =	ssyncadd.s32 $0xFFFFC000  }
0x2e: {  	[spmem:s7] =	stream.linear.scatter [tilespmem:s16], [sflag:$0x3], $0x4000, $0x38;
	[tilespmem:$0x1E800] =	vst v63  }
0x2f: {  	_ =	swait.ge [sflag:s17], $0x4000  }
0x30: {  	[sflag:s17] =	ssyncset.done $0x0  }
0x31: {  	[sflag:s17] =	ssyncadd.s32 $0xFFFFC000  }
0x32: {  	[spmem:s8] =	stream.linear.scatter [tilespmem:s16], [sflag:$0x3], $0x4000, $0x38;
	[tilespmem:$0x1E800] =	vst v63  }
0x33: {  	_ =	swait.ge [sflag:s17], $0x4000  }
0x34: {  	[sflag:s17] =	ssyncset.done $0x0  }
0x35: {  	[sflag:s17] =	ssyncadd.s32 $0xFFFFC000  }
0x36: {  	[bflag:$0x0] =	sbarrier.arrive $0xFFFF  }
0x37: {  	[tilespmem:s3], [sflag:$0x3] =	stream.linear.gather [hbm4b:s9+s3], $0x1400, $0x38;
	[tilespmem:$0x1E800] =	vst v63  }
0x38: {  	_ =	swait.ge [sflag:s17], $0x1400  }
0x39: {  	[sflag:s17] =	ssyncset.done $0x0  }
0x3a: {  	s30 =	simm.s32 $0x1400;
	[sflag:s17] =	ssyncadd.s32 $0xFFFFEC00  }
0x3b: {  	[tilespmem:s30], [sflag:$0x3] =	stream.linear.gather [hbm4b:s10+s3], $0x1400, $0x38;
	[tilespmem:$0x1E800] =	vst v63  }
0x3c: {  	s24 =	simm.s32 $0x80;
	s25 =	simm.s32 $0x1;
	_ =	swait.ge [sflag:s17], $0x1400  }
0x3d: {  	s26 =	simm.s32 $0x0;
	s25 =	sand.u32 $0x1, s25;
	[sflag:s17] =	ssyncset.done $0x0  }
0x3e: {  	s26 =	sand.u32 $0x1, s26;
	s28 =	sshll.u32 s25, $0xE;
	[sflag:s17] =	ssyncadd.s32 $0xFFFFEC00  }
0x3f: {  	[tilespmem:s16], [sflag:$0x1] =	stream.indirect.gather [hbm4b:s11+s24], $0x80, s3, s24, $0xb8;
	[tilespmem:$0x1E800] =	vst v63  }
0x40: {  	s25 =	sadd.s32 $0x1, s25;
	s29 =	sadd.s32 $0x1, s26;
	s28 =	sor.u32 $0x2800, s28  }
0x41: {  	[tilespmem:s28], [sflag:s25] =	stream.indirect.gather [hbm4b:s11+s18], $0x80, s24, s18, $0xb8;
	[tilespmem:$0x1E800] =	vst v63  }
0x42: {  	s23 =	simm.s32 $0x1480;
	_ =	swait.ge [sflag:s29], $0x4000  }
0x43: {  	s31 =	sshll.u32 s26, $0xE;
	s26 =	simm.s32 $0x3;
	[sflag:s29] =	ssyncset.done $0x0  }
0x44: {  	s24 =	sor.u32 $0x2800, s31;
	s25 =	simm.s32 $0x2;
	[sflag:s29] =	ssyncadd.s32 $0xFFFFC000  }
0x45: {  	[spmem:s1] =	stream.indirect.scatter.add.f32 [tilespmem:s24], [sflag:$0x3], $0x80, s30, s18, $0xb8;
	[tilespmem:$0x1E800] =	vst v63  }
0x46: {  	s28 =	sand.u32 $0x1, s25;
	s24 =	simm.s32 $0x100;
	_ =	swait.ge [sflag:s17], $0x4000  }
.LBB2_4:
0x47: {  	s29 =	sadd.s32 $0xFFFFFFFF, s25;
	s30 =	sshll.u32 s28, $0xE  }
0x48: {  	[sflag:s17] =	ssyncset.done $0x0;
	s25 =	smov.u32 s26;
	s28 =	sadd.s32 $0x1, s28  }
0x49: {  	p0 =	sne.s32 s26, $0x27;
	s29 =	sand.u32 $0x1, s29;
	s30 =	sor.u32 $0x2800, s30  }
0x4a: {  	s31 =	sshll.u32 s29, $0xE;
	s29 =	sadd.s32 $0x1, s29;
	[sflag:s17] =	ssyncadd.s32 $0xFFFFC000  }
0x4b: {  	[tilespmem:s30], [sflag:s28] =	stream.indirect.gather [hbm4b:s11+s18], $0x80, s24, s18, $0xb8;
	[tilespmem:$0x1E800] =	vst v63  }
.Ltmp1:
0x4c: {  	s30 =	sadd.s32 $0x1, s26;
	_ =	swait.ge [sflag:s29], $0x4000;
	(pc) =	sbr.rel @p0 .LBB2_4-.Ltmp1, $4  }
0x4d: {  	s26 =	sor.u32 $0x2800, s31;
	[sflag:s29] =	ssyncset.done $0x0  }
0x4e: {  	s24 =	sadd.s32 $0x80, s24;
	s28 =	sand.u32 $0x1, s25;
	[sflag:s29] =	ssyncadd.s32 $0xFFFFC000  }
0x4f: {  	[spmem:s1] =	stream.indirect.scatter.add.f32 [tilespmem:s26], [sflag:$0x3], $0x80, s23, s18, $0xb8;
	[tilespmem:$0x1E800] =	vst v63  }
0x50: {  	s23 =	sadd.s32 $0x80, s23;
	s26 =	smov.u32 s30;
	_ =	swait.ge [sflag:s17], $0x4000  }
0x51: {  	s25 =	sadd.s32 $0xFFFFFFFF, s25;
	s26 =	sshll.u32 s28, $0xE  }
0x52: {  	[sflag:s17] =	ssyncset.done $0x0;
	s28 =	sadd.s32 $0x1, s28;
	s25 =	sand.u32 $0x1, s25  }
0x53: {  	s26 =	sor.u32 $0x2800, s26;
	[sflag:s17] =	ssyncadd.s32 $0xFFFFC000;
	s29 =	sadd.s32 $0x1, s25  }
0x54: {  	[tilespmem:s26], [sflag:s28] =	stream.indirect.gather [hbm4b:s11+s18], $0x80, s24, s18, $0xb8;
	[tilespmem:$0x1E800] =	vst v63  }
0x55: {  	_ =	swait.ge [sflag:s29], $0x4000  }
0x56: {  	s30 =	sshll.u32 s25, $0xE;
	[sflag:s29] =	ssyncset.done $0x0  }
0x57: {  	s24 =	sor.u32 $0x2800, s30;
	[sflag:s29] =	ssyncadd.s32 $0xFFFFC000  }
0x58: {  	[spmem:s1] =	stream.indirect.scatter.add.f32 [tilespmem:s24], [sflag:$0x3], $0x80, s23, s18, $0xb8;
	[tilespmem:$0x1E800] =	vst v63  }
0x59: {  	_ =	swait.ge [sflag:s17], $0x4000  }
0x5a: {  	[sflag:s17] =	ssyncset.done $0x0  }
0x5b: {  	[sflag:s17] =	ssyncadd.s32 $0xFFFFC000  }
0x5c: {  	_ =	swait.ge [sflag:s19], $0x4000  }
0x5d: {  	[sflag:s19] =	ssyncset.done $0x0  }
0x5e: {  	s31 =	simm.s32 $0x80;
	[sflag:s19] =	ssyncadd.s32 $0xFFFFC000  }
0x5f: {  	[spmem:s1] =	stream.indirect.scatter.add.f32 [tilespmem:s21], [sflag:$0x3], $0x80, s20, s31, $0xb8;
	[tilespmem:$0x1E800] =	vst v63  }
0x60: {  	_ =	swait.ge [sflag:s17], $0x4000  }
0x61: {  	[sflag:s17] =	ssyncset.done $0x0  }
0x62: {  	[sflag:s17] =	ssyncadd.s32 $0xFFFFC000  }
0x63: {  	[tilespmem:s3], [sflag:$0x3] =	stream.linear.gather [hbm4b:s12+s3], $0x1400, $0x38;
	[tilespmem:$0x1E800] =	vst v63  }
0x64: {  	_ =	swait.ge [sflag:s17], $0x1400  }
0x65: {  	[sflag:s17] =	ssyncset.done $0x0  }
0x66: {  	s24 =	simm.s32 $0x1400;
	[sflag:s17] =	ssyncadd.s32 $0xFFFFEC00  }
0x67: {  	[tilespmem:s24], [sflag:$0x3] =	stream.linear.gather [hbm4b:s13+s3], $0x1400, $0x38;
	[tilespmem:$0x1E800] =	vst v63  }
0x68: {  	s26 =	simm.s32 $0x1;
	_ =	swait.ge [sflag:s17], $0x1400  }
0x69: {  	s25 =	sand.u32 $0x1, s26;
	s29 =	simm.s32 $0x0;
	[sflag:s17] =	ssyncset.done $0x0  }
0x6a: {  	s28 =	sshll.u32 s25, $0xE;
	s26 =	sand.u32 $0x1, s29;
	[sflag:s17] =	ssyncadd.s32 $0xFFFFEC00  }
0x6b: {  	[tilespmem:s16], [sflag:$0x1] =	stream.indirect.gather [hbm4b:s11+s31], $0x80, s3, s31, $0xb8;
	[tilespmem:$0x1E800] =	vst v63  }
0x6c: {  	s25 =	sadd.s32 $0x1, s25;
	s28 =	sor.u32 $0x2800, s28;
	s30 =	sadd.s32 $0x1, s26  }
0x6d: {  	[tilespmem:s28], [sflag:s25] =	stream.indirect.gather [hbm4b:s11+s18], $0x80, s31, s18, $0xb8;
	[tilespmem:$0x1E800] =	vst v63  }
0x6e: {  	s31 =	sshll.u32 s26, $0xE;
	_ =	swait.ge [sflag:s30], $0x4000  }
0x6f: {  	s25 =	simm.s32 $0x2;
	s26 =	simm.s32 $0x3;
	[sflag:s30] =	ssyncset.done $0x0  }
0x70: {  	s23 =	sor.u32 $0x2800, s31;
	s28 =	sand.u32 $0x1, s25;
	[sflag:s30] =	ssyncadd.s32 $0xFFFFC000  }
0x71: {  	[spmem:s1] =	stream.indirect.scatter.add.f32 [tilespmem:s23], [sflag:$0x3], $0x80, s24, s18, $0xb8;
	[tilespmem:$0x1E800] =	vst v63  }
0x72: {  	s24 =	simm.s32 $0x100;
	s23 =	simm.s32 $0x1480;
	_ =	swait.ge [sflag:s17], $0x4000  }
.LBB2_6:
0x73: {  	s29 =	sadd.s32 $0xFFFFFFFF, s25;
	s30 =	sshll.u32 s28, $0xE  }
0x74: {  	[sflag:s17] =	ssyncset.done $0x0;
	s25 =	smov.u32 s26;
	s28 =	sadd.s32 $0x1, s28  }
0x75: {  	p0 =	sne.s32 s26, $0x27;
	s29 =	sand.u32 $0x1, s29;
	s30 =	sor.u32 $0x2800, s30  }
0x76: {  	s31 =	sshll.u32 s29, $0xE;
	s29 =	sadd.s32 $0x1, s29;
	[sflag:s17] =	ssyncadd.s32 $0xFFFFC000  }
0x77: {  	[tilespmem:s30], [sflag:s28] =	stream.indirect.gather [hbm4b:s11+s18], $0x80, s24, s18, $0xb8;
	[tilespmem:$0x1E800] =	vst v63  }
.Ltmp2:
0x78: {  	s30 =	sadd.s32 $0x1, s26;
	_ =	swait.ge [sflag:s29], $0x4000;
	(pc) =	sbr.rel @p0 .LBB2_6-.Ltmp2, $4  }
0x79: {  	s26 =	sor.u32 $0x2800, s31;
	[sflag:s29] =	ssyncset.done $0x0  }
0x7a: {  	s24 =	sadd.s32 $0x80, s24;
	s28 =	sand.u32 $0x1, s25;
	[sflag:s29] =	ssyncadd.s32 $0xFFFFC000  }
0x7b: {  	[spmem:s1] =	stream.indirect.scatter.add.f32 [tilespmem:s26], [sflag:$0x3], $0x80, s23, s18, $0xb8;
	[tilespmem:$0x1E800] =	vst v63  }
0x7c: {  	s23 =	sadd.s32 $0x80, s23;
	s26 =	smov.u32 s30;
	_ =	swait.ge [sflag:s17], $0x4000  }
0x7d: {  	s25 =	sadd.s32 $0xFFFFFFFF, s25;
	s26 =	sshll.u32 s28, $0xE  }
0x7e: {  	[sflag:s17] =	ssyncset.done $0x0;
	s31 =	sadd.s32 $0x1, s28;
	s25 =	sand.u32 $0x1, s25  }
0x7f: {  	s26 =	sor.u32 $0x2800, s26;
	[sflag:s17] =	ssyncadd.s32 $0xFFFFC000;
	s29 =	sadd.s32 $0x1, s25  }
0x80: {  	[tilespmem:s26], [sflag:s31] =	stream.indirect.gather [hbm4b:s11+s18], $0x80, s24, s18, $0xb8;
	[tilespmem:$0x1E800] =	vst v63  }
0x81: {  	_ =	swait.ge [sflag:s29], $0x4000  }
0x82: {  	s28 =	sshll.u32 s25, $0xE;
	[sflag:s29] =	ssyncset.done $0x0  }
0x83: {  	s24 =	sor.u32 $0x2800, s28;
	[sflag:s29] =	ssyncadd.s32 $0xFFFFC000  }
0x84: {  	[spmem:s1] =	stream.indirect.scatter.add.f32 [tilespmem:s24], [sflag:$0x3], $0x80, s23, s18, $0xb8;
	[tilespmem:$0x1E800] =	vst v63  }
0x85: {  	_ =	swait.ge [sflag:s17], $0x4000  }
0x86: {  	[sflag:s17] =	ssyncset.done $0x0  }
0x87: {  	[sflag:s17] =	ssyncadd.s32 $0xFFFFC000  }
0x88: {  	_ =	swait.ge [sflag:s19], $0x4000  }
0x89: {  	[sflag:s19] =	ssyncset.done $0x0  }
0x8a: {  	[sflag:s19] =	ssyncadd.s32 $0xFFFFC000  }
0x8b: {  	[spmem:s1] =	stream.indirect.scatter.add.f32 [tilespmem:s21], [sflag:$0x3], $0x80, s20, s18, $0xb8;
	[tilespmem:$0x1E800] =	vst v63  }
0x8c: {  	_ =	swait.ge [sflag:s17], $0x4000  }
0x8d: {  	s30 =	sshll.u32 s2, $0x6;
	s22 =	sadd.s32 $0x1, s22;
	[sflag:s17] =	ssyncset.done $0x0  }
0x8e: {  	p0 =	sne.s32 s22, s15;
	s31 =	sshrl.u32 s4, $0x3;
	[sflag:s17] =	ssyncadd.s32 $0xFFFFC000  }
.Ltmp3:
0x8f: {  	s23 =	sor.u32 $0x1C03, s30;
	[bflag:$0x0] =	sbarrier.arrive $0xFFFF;
	(pc) =	sbr.rel @p0 .LBB2_1-.Ltmp3, $4  }
0x90: {  	[hbm:s14], [sflag:s23] =	dma.local [spmem:s31], $0x2800  }
0x91: {  	_ =	swait.ge [sflag:s17], $0x2800  }
0x92: {  	[sflag:s17] =	ssyncset.done $0x0  }
0x93: {  	[sflag:s17] =	ssyncadd.s32 $0xFFFFD800  }
0x94: {  	_ =	sfence.sel $0x180000  }
0x95: {  	[bflag:$0x0] =	sbarrier.arrive $0xFFFF  }
0x96: {  	p0 =	sne.s32 s2, $0x0;
	_ =	strace $0x9000004A  }
0x97: {  	s0 =	sadd.s32 @!p0 $0x100000, s0;
	[bflag:$0x2] =	sbarrier.arrive $0xFFFF  }
0x98: {  	[sflag:s0] =	ssyncadd.tile.s32 @!p0 $0x1;
	_ =	shalt  }
.Lfunc_end2:
_tile_overlayer_lowered:
.L_overlay_start_2:
0x99: {  	(tag) =	ssettag $0x2  }
0x9a: {  	s0 =	rddreg [dreg:$0x0];
	s2 =	stileid.u32  }
0x9b: {  	s1 =	rddreg [dreg:$0x1];
	p0 =	sne.s32 s2, $0x0  }
0x9c: {  	s3 =	rddreg [dreg:$0x2];
	[bflag:$0x3] =	sbarrier.arrive $0xFFFF;
	s2 =	simm.s32 @!p0 $0x1C03  }
0x9d: {  	[timem:s3], [sflag:s2] =	dma.local @!p0 [hbm:s0], s1  }
0x9e: {  	s0 =	simm.s32 @!p0 $0x3  }
0x9f: {  	_ =	swait.ge @!p0 [sflag:s0], s1  }
0xa0: {  	s1 =	ssub.s32 @!p0 $0x0, s1;
	[sflag:s0] =	ssyncset.done @!p0 $0x0  }
0xa1: {  	[sflag:s0] =	ssyncadd.s32 @!p0 s1  }
0xa2: {  	[bflag:$0x3] =	sbarrier.arrive $0xFFFF  }
0xa3: {  	_ =	shalt  }

</sc_bundles>
